<compile_context>
chip_gen: v7x
topology: tpu7x:2x2x1
jax: 0.10.2.dev20260603
libtpu: 0.0.44.dev20260713+nightly
codegen_flags: <defaults>
</compile_context>

<pallas_src>
import functools

import jax
import jax.numpy as jnp
from jax import lax
from jax.experimental import pallas as pl
from jax.experimental.pallas import tpu as pltpu
from jax.experimental.pallas import tpu_sc as plsc

B = 16384
D_H = 128
N_BIG = 2


_DN_T = (((0,), (0,)), ((), ()))
_DN_T1 = (((1,), (1,)), ((), ()))
_DN_01 = (((0,), (1,)), ((), ()))

_KBLK = 256
_KGRID = 7


def _fold_big_body(tblt_ref, w_ref, extra_ref, out_ref):
    k = pl.program_id(0)
    part = lax.dot_general(tblt_ref[...], w_ref[...], _DN_T,
                           preferred_element_type=jnp.float32)

    @pl.when(k == 0)
    def _():
        out_ref[...] = extra_ref[...] + part

    @pl.when(k > 0)
    def _():
        out_ref[...] = out_ref[...] + part


def _fold_big(tbl_t, w, extra):
    rows = tbl_t.shape[1]
    return pl.pallas_call(
        _fold_big_body,
        grid=(_KGRID,),
        in_specs=[
            pl.BlockSpec((_KBLK, rows), lambda i: (i, 0)),
            pl.BlockSpec((_KBLK, D_H), lambda i: (i, 0)),
            pl.BlockSpec((rows, D_H), lambda i: (0, 0)),
        ],
        out_specs=pl.BlockSpec((rows, D_H), lambda i: (0, 0)),
        out_shape=jax.ShapeDtypeStruct((rows, D_H), jnp.float32),
    )(tbl_t, w, extra)



def _fold_small_body(m_ref, s_ref, ct_ref, at_ref, w1t_ref,
                     waux_ref, p3_ref, extra_ref):
    w1t = w1t_ref[...]
    p0t = lax.dot_general(w1t[:, 0:5], m_ref[...], _DN_T1,
                          preferred_element_type=jnp.float32)
    p1t = lax.dot_general(w1t[:, 5:9], s_ref[...], _DN_T1,
                          preferred_element_type=jnp.float32)
    waux_ref[...] = jnp.concatenate([p0t, p1t, w1t[:, 2090:2093]], axis=1)
    p3_ref[...] = lax.dot_general(ct_ref[...], w1t[:, 1808:2090], _DN_01,
                                  preferred_element_type=jnp.float32)
    extra_ref[...] = lax.dot_general(at_ref[...], w1t[:, 1801:1808], _DN_01,
                                     preferred_element_type=jnp.float32)


def _fold_small(m, s, c_t, a_tail_t, w1t):
    return pl.pallas_call(
        _fold_small_body,
        out_shape=(
            jax.ShapeDtypeStruct((D_H, 12), jnp.float32),
            jax.ShapeDtypeStruct((c_t.shape[1], D_H), jnp.float32),
            jax.ShapeDtypeStruct((a_tail_t.shape[1], D_H), jnp.float32),
        ),
    )(m, s, c_t, a_tail_t, w1t)



_NW = 32
_BPW = B // _NW
_CHUNK = 128
_NCH = _BPW // _CHUNK


_SETS = 3


@functools.cache
def _make_sc_gather_sum():
    @functools.partial(
        pl.kernel,
        mesh=plsc.VectorSubcoreMesh(core_axis_name="c", subcore_axis_name="s"),
        out_type=jax.ShapeDtypeStruct((B, D_H), jnp.float32),
        scratch_types=[
            pltpu.VMEM((N_BIG, _BPW), jnp.int32),
            pltpu.VMEM((_SETS, N_BIG, _CHUNK, D_H), jnp.float32),
            pltpu.SemaphoreType.DMA,
            pltpu.SemaphoreType.DMA,
            pltpu.SemaphoreType.DMA,
            pltpu.SemaphoreType.DMA,
        ],
    )
    def _sc_gather_sum(t2_hbm, t3_hbm, xctf_hbm, out_hbm,
                       idx_v, rows_v, sg0, sg1, sg2, so):
        wid = lax.axis_index("s") * 2 + lax.axis_index("c")
        pltpu.sync_copy(xctf_hbm.at[pl.ds(2 * B + wid * _BPW, _BPW)],
                        idx_v.at[0])
        pltpu.sync_copy(xctf_hbm.at[pl.ds(3 * B + wid * _BPW, _BPW)],
                        idx_v.at[1])
        tbls = (t2_hbm, t3_hbm)
        gsems = (sg0, sg1, sg2)
        handles = [None] * _SETS
        out_h = [None] * _SETS

        def issue(ch):
            s = ch % _SETS
            if out_h[s] is not None:
                out_h[s].wait()
                out_h[s] = None
            handles[s] = [
                pltpu.async_copy(
                    tbls[t].at[idx_v.at[t, pl.ds(ch * _CHUNK, _CHUNK)]],
                    rows_v.at[s, t], gsems[s])
                for t in range(N_BIG)
            ]

        for ch in range(min(_SETS, _NCH)):
            issue(ch)
        for ch in range(_NCH):
            s = ch % _SETS
            for h in handles[s]:
                h.wait()

            def _acc_row(r, carry):
                for j in range(D_H // 16):
                    sl = pl.ds(j * 16, 16)
                    rows_v[s, 0, r, sl] = rows_v[s, 0, r, sl] + rows_v[s, 1, r, sl]
                return carry

            lax.fori_loop(0, _CHUNK, _acc_row, 0)
            out_h[s] = pltpu.async_copy(
                rows_v.at[s, 0],
                out_hbm.at[pl.ds(wid * _BPW + ch * _CHUNK, _CHUNK)], so)
            if ch + _SETS < _NCH:
                issue(ch + _SETS)
        for s in range(_SETS):
            if out_h[s] is not None:
                out_h[s].wait()

    return _sc_gather_sum



_MLP_BLK = 8192


_DN_OUT = (((0,), (1,)), ((), ()))


def _mlp_body(g_ref, xct_ref, xnt_ref, waux_ref, b1_ref, w2_ref,
              b2_ref, wo_ref, bo_ref, out_ref):
    xct = xct_ref[...]
    oh0 = (xct[0:1, :] == lax.broadcasted_iota(jnp.int32, (5, _MLP_BLK), 0))
    oh1 = (xct[1:2, :] == lax.broadcasted_iota(jnp.int32, (4, _MLP_BLK), 0))
    aux_t = jnp.concatenate([oh0.astype(jnp.float32), oh1.astype(jnp.float32),
                             xnt_ref[...]], axis=0)
    h = g_ref[...] + lax.dot_general(
        aux_t, waux_ref[...], _DN_01,
        preferred_element_type=jnp.float32) + b1_ref[...]
    h = jnp.maximum(h, 0.0)
    h2 = jnp.dot(h, w2_ref[...], preferred_element_type=jnp.float32) + b2_ref[...]
    h2 = jnp.maximum(h2, 0.0)
    out_ref[...] = lax.dot_general(wo_ref[...], h2, _DN_OUT,
                                   preferred_element_type=jnp.float32) + bo_ref[...]


def _mlp(g, xc_t, xn_t, waux, b1, w2, b2, wo, bo):
    grid = (B // _MLP_BLK,)
    return pl.pallas_call(
        _mlp_body,
        grid=grid,
        in_specs=[
            pl.BlockSpec((_MLP_BLK, D_H), lambda i: (i, 0)),
            pl.BlockSpec((4, _MLP_BLK), lambda i: (0, i)),
            pl.BlockSpec((3, _MLP_BLK), lambda i: (0, i)),
            pl.BlockSpec((D_H, 12), lambda i: (0, 0)),
            pl.BlockSpec((1, D_H), lambda i: (0, 0)),
            pl.BlockSpec((D_H, 64), lambda i: (0, 0)),
            pl.BlockSpec((1, 64), lambda i: (0, 0)),
            pl.BlockSpec((64, 1), lambda i: (0, 0)),
            pl.BlockSpec((1, 1), lambda i: (0, 0)),
        ],
        out_specs=pl.BlockSpec((1, _MLP_BLK), lambda i: (0, i)),
        out_shape=jax.ShapeDtypeStruct((1, B), jnp.float32),
    )(g, xc_t, xn_t, waux, b1, w2, b2, wo, bo)



def kernel(x_cat, x_num, market_emb, ship_emb, order_city_emb,
           customer_city_emb, W1, b1, W2, b2, Wo, bo):
    a_t = order_city_emb.T
    w1t = W1.T
    w1c = W1[9:1808]

    w_aux, p3, extra = _fold_small(market_emb, ship_emb,
                                   customer_city_emb.T, a_t[1792:1799], w1t)
    p2 = _fold_big(a_t, w1c, extra)

    xct = x_cat.astype(jnp.int32).T

    g = _make_sc_gather_sum()(p2, p3, xct.reshape(-1))

    out_t = _mlp(g, xct, x_num.T, w_aux, b1.reshape(1, D_H), W2,
                 b2.reshape(1, 64), Wo, bo.reshape(1, 1))
    return out_t.T

# --- scband reference (transcript-rebuilt; emitter-appended) ---
"""Pipeline reference for scband-supply-chain-model-d-77206332113251 (READ-ONLY COPY).

The authoritative reference and input builder live on the scoring server;
editing this copy changes nothing except your own understanding.
"""

import jax, jax.numpy as jnp
import numpy as np

B = 16384

def setup_inputs(seed: int = 0) -> dict:
    key = jax.random.key(seed)
    ks = jax.random.split(key, 16)
    c0 = jax.random.randint(ks[0], (B,), 0, 5)
    c1 = jax.random.randint(ks[1], (B,), 0, 4)
    c2 = jax.random.randint(ks[2], (B,), 0, 3597)
    c3 = jax.random.randint(ks[3], (B,), 0, 563)
    x_cat = jnp.stack([c0, c1, c2, c3], axis=1)
    x_num = jax.random.normal(ks[4], (B, 3), dtype=jnp.float32)
    market_emb = jax.random.normal(ks[5], (5, 5), dtype=jnp.float32) * 0.02
    ship_emb = jax.random.normal(ks[6], (4, 4), dtype=jnp.float32) * 0.02
    order_city_emb = jax.random.normal(ks[7], (3597, 1799), dtype=jnp.float32) * 0.02
    customer_city_emb = jax.random.normal(ks[8], (563, 282), dtype=jnp.float32) * 0.02
    d_in = 5 + 4 + 1799 + 282 + 3
    W1 = jax.random.normal(ks[9], (d_in, 128), dtype=jnp.float32) * (1.0 / np.sqrt(d_in))
    b1 = jnp.zeros((128,), dtype=jnp.float32)
    W2 = jax.random.normal(ks[10], (128, 64), dtype=jnp.float32) * (1.0 / np.sqrt(128))
    b2 = jnp.zeros((64,), dtype=jnp.float32)
    Wo = jax.random.normal(ks[11], (64, 1), dtype=jnp.float32) * (1.0 / np.sqrt(64))
    bo = jnp.zeros((1,), dtype=jnp.float32)
    return {"x_cat": x_cat, "x_num": x_num, "market_emb": market_emb, "ship_emb": ship_emb,
            "order_city_emb": order_city_emb, "customer_city_emb": customer_city_emb,
            "W1": W1, "b1": b1, "W2": W2, "b2": b2, "Wo": Wo, "bo": bo}


def reference(x_cat, x_num, market_emb, ship_emb, order_city_emb, customer_city_emb, W1, b1, W2, b2, Wo, bo):
    e1 = jnp.take(market_emb, x_cat[:, 0], axis=0)
    e2 = jnp.take(ship_emb, x_cat[:, 1], axis=0)
    e3 = jnp.take(order_city_emb, x_cat[:, 2], axis=0)
    e4 = jnp.take(customer_city_emb, x_cat[:, 3], axis=0)
    x = jnp.concatenate([e1, e2, e3, e4, x_num], axis=1)
    x = jax.nn.relu(x @ W1 + b1)
    x = jax.nn.relu(x @ W2 + b2)
    return x @ Wo + bo

if __name__ == "__main__":
    import jax
    _d = setup_inputs()
    print(jax.jit(kernel)(*tuple(_d.values())))

</pallas_src>

<mosaic_0001>
#map = affine_map<(d0, d1) -> (0, 0)>
#map1 = affine_map<(d0, d1) -> (0)>
module attributes {stable_mosaic.version = 14 : i64} {
  func.func @_sc_gather_sum(%arg0: i32, %arg1: i32, %arg2: memref<3597x128xf32, #tpu.memory_space<hbm>>, %arg3: memref<563x128xf32, #tpu.memory_space<hbm>>, %arg4: memref<65536xi32, #tpu.memory_space<hbm>>, %arg5: memref<16384x128xf32, #tpu.memory_space<hbm>>, %arg6: memref<2x512xi32, #tpu.memory_space<vmem>>, %arg7: memref<3x2x128x128xf32, #tpu.memory_space<vmem>>, %arg8: memref<!tpu.dma_semaphore, #tpu.memory_space<semaphore_mem>>, %arg9: memref<!tpu.dma_semaphore, #tpu.memory_space<semaphore_mem>>, %arg10: memref<!tpu.dma_semaphore, #tpu.memory_space<semaphore_mem>>, %arg11: memref<!tpu.dma_semaphore, #tpu.memory_space<semaphore_mem>>) attributes {dimension_semantics = [#tpu.dimension_semantics<core_parallel>, #tpu.dimension_semantics<subcore_parallel>], iteration_bounds = array<i64: 2, 16>, scalar_prefetch = 0 : i64, scratch_operands = 6 : i64, tpu.core_type = #tpu.core_type<sc_vector_subcore>, window_params = [{transform_indices = #map}, {transform_indices = #map}, {transform_indices = #map1}, {transform_indices = #map}]} {
    %mul3A = arith.constant 2 : i32
    %mul3A_0 = arith.muli %arg1, %mul3A : i32
    %add3A = arith.addi %mul3A_0, %arg0 : i32
    %mul3A_1 = arith.constant 512 : i32
    %mul3A_2 = arith.muli %add3A, %mul3A_1 : i32
    %add3A_3 = arith.constant 32768 : i32
    %add3A_4 = arith.addi %add3A_3, %mul3A_2 : i32
    %run_scoped3A = arith.constant 0 : i32
    "tpu.region"() ({
      %run_scoped3A_367 = tpu.sem_alloc : memref<!tpu.dma_semaphore, #tpu.memory_space<semaphore_mem>>
      %dma_start3A_368 = arith.constant 0 : i32
      %dma_start3A_369 = tpu.memref_slice %arg6[%run_scoped3A, %dma_start3A_368] : memref<2x512xi32, #tpu.memory_space<vmem>> -> memref<1x512xi32, #tpu.memory_space<vmem>>
      %dma_start3A_370 = tpu.memref_squeeze %dma_start3A_369 : memref<1x512xi32, #tpu.memory_space<vmem>> -> memref<512xi32, #tpu.memory_space<vmem>>
      %dma_start3A_371 = tpu.memref_slice %arg4[%add3A_4] : memref<65536xi32, #tpu.memory_space<hbm>> -> memref<512xi32, #tpu.memory_space<hbm>>
      %dma_start3A_372 = arith.constant 0 : i32
      %dma_start3A_373 = tpu.memref_slice %arg6[%run_scoped3A, %dma_start3A_372] : memref<2x512xi32, #tpu.memory_space<vmem>> -> memref<1x512xi32, #tpu.memory_space<vmem>>
      %dma_start3A_374 = tpu.memref_squeeze %dma_start3A_373 : memref<1x512xi32, #tpu.memory_space<vmem>> -> memref<512xi32, #tpu.memory_space<vmem>>
      %dma_start3A_375 = tpu.memref_slice %arg4[%add3A_4] : memref<65536xi32, #tpu.memory_space<hbm>> -> memref<512xi32, #tpu.memory_space<hbm>>
      tpu.enqueue_dma source(%dma_start3A_375 : memref<512xi32, #tpu.memory_space<hbm>>) target(%dma_start3A_374 : memref<512xi32, #tpu.memory_space<vmem>>) target_semaphore(%run_scoped3A_367 : memref<!tpu.dma_semaphore, #tpu.memory_space<semaphore_mem>>)
      %dma_wait3A_376 = arith.constant 0 : i32
      %dma_wait3A_377 = tpu.memref_slice %arg6[%run_scoped3A, %dma_wait3A_376] : memref<2x512xi32, #tpu.memory_space<vmem>> -> memref<1x512xi32, #tpu.memory_space<vmem>>
      %dma_wait3A_378 = tpu.memref_squeeze %dma_wait3A_377 : memref<1x512xi32, #tpu.memory_space<vmem>> -> memref<512xi32, #tpu.memory_space<vmem>>
      %dma_wait3A_379 = tpu.memref_slice %arg4[%add3A_4] : memref<65536xi32, #tpu.memory_space<hbm>> -> memref<512xi32, #tpu.memory_space<hbm>>
      %dma_wait3A_380 = arith.constant 0 : i32
      %dma_wait3A_381 = tpu.memref_slice %arg6[%run_scoped3A, %dma_wait3A_380] : memref<2x512xi32, #tpu.memory_space<vmem>> -> memref<1x512xi32, #tpu.memory_space<vmem>>
      %dma_wait3A_382 = tpu.memref_squeeze %dma_wait3A_381 : memref<1x512xi32, #tpu.memory_space<vmem>> -> memref<512xi32, #tpu.memory_space<vmem>>
      %dma_wait3A_383 = tpu.memref_slice %arg4[%add3A_4] : memref<65536xi32, #tpu.memory_space<hbm>> -> memref<512xi32, #tpu.memory_space<hbm>>
      tpu.wait_dma2 semaphore(%run_scoped3A_367 : memref<!tpu.dma_semaphore, #tpu.memory_space<semaphore_mem>>) src(%dma_wait3A_383 : memref<512xi32, #tpu.memory_space<hbm>>) dst(%dma_wait3A_382 : memref<512xi32, #tpu.memory_space<vmem>>)
      tpu.yield
    }) : () -> ()
    %mul3A_5 = arith.constant 512 : i32
    %mul3A_6 = arith.muli %add3A, %mul3A_5 : i32
    %add3A_7 = arith.constant 49152 : i32
    %add3A_8 = arith.addi %add3A_7, %mul3A_6 : i32
    %run_scoped3A_9 = arith.constant 1 : i32
    "tpu.region"() ({
      %run_scoped3A_367 = tpu.sem_alloc : memref<!tpu.dma_semaphore, #tpu.memory_space<semaphore_mem>>
      %dma_start3A_368 = arith.constant 0 : i32
      %dma_start3A_369 = tpu.memref_slice %arg6[%run_scoped3A_9, %dma_start3A_368] : memref<2x512xi32, #tpu.memory_space<vmem>> -> memref<1x512xi32, #tpu.memory_space<vmem>>
      %dma_start3A_370 = tpu.memref_squeeze %dma_start3A_369 : memref<1x512xi32, #tpu.memory_space<vmem>> -> memref<512xi32, #tpu.memory_space<vmem>>
      %dma_start3A_371 = tpu.memref_slice %arg4[%add3A_8] : memref<65536xi32, #tpu.memory_space<hbm>> -> memref<512xi32, #tpu.memory_space<hbm>>
      %dma_start3A_372 = arith.constant 0 : i32
      %dma_start3A_373 = tpu.memref_slice %arg6[%run_scoped3A_9, %dma_start3A_372] : memref<2x512xi32, #tpu.memory_space<vmem>> -> memref<1x512xi32, #tpu.memory_space<vmem>>
      %dma_start3A_374 = tpu.memref_squeeze %dma_start3A_373 : memref<1x512xi32, #tpu.memory_space<vmem>> -> memref<512xi32, #tpu.memory_space<vmem>>
      %dma_start3A_375 = tpu.memref_slice %arg4[%add3A_8] : memref<65536xi32, #tpu.memory_space<hbm>> -> memref<512xi32, #tpu.memory_space<hbm>>
      tpu.enqueue_dma source(%dma_start3A_375 : memref<512xi32, #tpu.memory_space<hbm>>) target(%dma_start3A_374 : memref<512xi32, #tpu.memory_space<vmem>>) target_semaphore(%run_scoped3A_367 : memref<!tpu.dma_semaphore, #tpu.memory_space<semaphore_mem>>)
      %dma_wait3A_376 = arith.constant 0 : i32
      %dma_wait3A_377 = tpu.memref_slice %arg6[%run_scoped3A_9, %dma_wait3A_376] : memref<2x512xi32, #tpu.memory_space<vmem>> -> memref<1x512xi32, #tpu.memory_space<vmem>>
      %dma_wait3A_378 = tpu.memref_squeeze %dma_wait3A_377 : memref<1x512xi32, #tpu.memory_space<vmem>> -> memref<512xi32, #tpu.memory_space<vmem>>
      %dma_wait3A_379 = tpu.memref_slice %arg4[%add3A_8] : memref<65536xi32, #tpu.memory_space<hbm>> -> memref<512xi32, #tpu.memory_space<hbm>>
      %dma_wait3A_380 = arith.constant 0 : i32
      %dma_wait3A_381 = tpu.memref_slice %arg6[%run_scoped3A_9, %dma_wait3A_380] : memref<2x512xi32, #tpu.memory_space<vmem>> -> memref<1x512xi32, #tpu.memory_space<vmem>>
      %dma_wait3A_382 = tpu.memref_squeeze %dma_wait3A_381 : memref<1x512xi32, #tpu.memory_space<vmem>> -> memref<512xi32, #tpu.memory_space<vmem>>
      %dma_wait3A_383 = tpu.memref_slice %arg4[%add3A_8] : memref<65536xi32, #tpu.memory_space<hbm>> -> memref<512xi32, #tpu.memory_space<hbm>>
      tpu.wait_dma2 semaphore(%run_scoped3A_367 : memref<!tpu.dma_semaphore, #tpu.memory_space<semaphore_mem>>) src(%dma_wait3A_383 : memref<512xi32, #tpu.memory_space<hbm>>) dst(%dma_wait3A_382 : memref<512xi32, #tpu.memory_space<vmem>>)
      tpu.yield
    }) : () -> ()
    %dma_start3A = arith.constant 0 : i32
    %dma_start3A_10 = arith.constant 0 : i32
    %dma_start3A_11 = arith.constant 0 : i32
    %dma_start3A_12 = arith.constant 0 : i32
    %dma_start3A_13 = arith.constant 0 : i32
    %dma_start3A_14 = tpu.memref_slice %arg7[%dma_start3A_10, %dma_start3A_11, %dma_start3A_12, %dma_start3A_13] : memref<3x2x128x128xf32, #tpu.memory_space<vmem>> -> memref<1x1x128x128xf32, #tpu.memory_space<vmem>>
    %dma_start3A_15 = tpu.memref_squeeze %dma_start3A_14 : memref<1x1x128x128xf32, #tpu.memory_space<vmem>> -> memref<128x128xf32, #tpu.memory_space<vmem>>
    %dma_start3A_16 = arith.constant 0 : i32
    %dma_start3A_17 = tpu.memref_slice %arg6[%dma_start3A, %dma_start3A_16] : memref<2x512xi32, #tpu.memory_space<vmem>> -> memref<1x128xi32, #tpu.memory_space<vmem>>
    %dma_start3A_18 = tpu.memref_squeeze %dma_start3A_17 : memref<1x128xi32, #tpu.memory_space<vmem>> -> memref<128xi32, #tpu.memory_space<vmem>>
    %dma_start3A_19 = arith.constant 0 : i32
    %dma_start3A_20 = arith.constant 0 : i32
    %dma_start3A_21 = tpu.memref_slice %arg2[%dma_start3A_19, %dma_start3A_20] : memref<3597x128xf32, #tpu.memory_space<hbm>> -> memref<3597x128xf32, #tpu.memory_space<hbm>>
    tpu.enqueue_indirect_dma source(%dma_start3A_21 : memref<3597x128xf32, #tpu.memory_space<hbm>>) target(%dma_start3A_15 : memref<128x128xf32, #tpu.memory_space<vmem>>) offsets(%dma_start3A_18 : memref<128xi32, #tpu.memory_space<vmem>>) semaphore(%arg8 : memref<!tpu.dma_semaphore, #tpu.memory_space<semaphore_mem>>)
    %dma_start3A_22 = arith.constant 1 : i32
    %dma_start3A_23 = arith.constant 0 : i32
    %dma_start3A_24 = arith.constant 1 : i32
    %dma_start3A_25 = arith.constant 0 : i32
    %dma_start3A_26 = arith.constant 0 : i32
    %dma_start3A_27 = tpu.memref_slice %arg7[%dma_start3A_23, %dma_start3A_24, %dma_start3A_25, %dma_start3A_26] : memref<3x2x128x128xf32, #tpu.memory_space<vmem>> -> memref<1x1x128x128xf32, #tpu.memory_space<vmem>>
    %dma_start3A_28 = tpu.memref_squeeze %dma_start3A_27 : memref<1x1x128x128xf32, #tpu.memory_space<vmem>> -> memref<128x128xf32, #tpu.memory_space<vmem>>
    %dma_start3A_29 = arith.constant 0 : i32
    %dma_start3A_30 = tpu.memref_slice %arg6[%dma_start3A_22, %dma_start3A_29] : memref<2x512xi32, #tpu.memory_space<vmem>> -> memref<1x128xi32, #tpu.memory_space<vmem>>
    %dma_start3A_31 = tpu.memref_squeeze %dma_start3A_30 : memref<1x128xi32, #tpu.memory_space<vmem>> -> memref<128xi32, #tpu.memory_space<vmem>>
    %dma_start3A_32 = arith.constant 0 : i32
    %dma_start3A_33 = arith.constant 0 : i32
    %dma_start3A_34 = tpu.memref_slice %arg3[%dma_start3A_32, %dma_start3A_33] : memref<563x128xf32, #tpu.memory_space<hbm>> -> memref<563x128xf32, #tpu.memory_space<hbm>>
    tpu.enqueue_indirect_dma source(%dma_start3A_34 : memref<563x128xf32, #tpu.memory_space<hbm>>) target(%dma_start3A_28 : memref<128x128xf32, #tpu.memory_space<vmem>>) offsets(%dma_start3A_31 : memref<128xi32, #tpu.memory_space<vmem>>) semaphore(%arg8 : memref<!tpu.dma_semaphore, #tpu.memory_space<semaphore_mem>>)
    %dma_start3A_35 = arith.constant 0 : i32
    %dma_start3A_36 = arith.constant 1 : i32
    %dma_start3A_37 = arith.constant 0 : i32
    %dma_start3A_38 = arith.constant 0 : i32
    %dma_start3A_39 = arith.constant 0 : i32
    %dma_start3A_40 = tpu.memref_slice %arg7[%dma_start3A_36, %dma_start3A_37, %dma_start3A_38, %dma_start3A_39] : memref<3x2x128x128xf32, #tpu.memory_space<vmem>> -> memref<1x1x128x128xf32, #tpu.memory_space<vmem>>
    %dma_start3A_41 = tpu.memref_squeeze %dma_start3A_40 : memref<1x1x128x128xf32, #tpu.memory_space<vmem>> -> memref<128x128xf32, #tpu.memory_space<vmem>>
    %dma_start3A_42 = arith.constant 128 : i32
    %dma_start3A_43 = tpu.memref_slice %arg6[%dma_start3A_35, %dma_start3A_42] : memref<2x512xi32, #tpu.memory_space<vmem>> -> memref<1x128xi32, #tpu.memory_space<vmem>>
    %dma_start3A_44 = tpu.memref_squeeze %dma_start3A_43 : memref<1x128xi32, #tpu.memory_space<vmem>> -> memref<128xi32, #tpu.memory_space<vmem>>
    %dma_start3A_45 = arith.constant 0 : i32
    %dma_start3A_46 = arith.constant 0 : i32
    %dma_start3A_47 = tpu.memref_slice %arg2[%dma_start3A_45, %dma_start3A_46] : memref<3597x128xf32, #tpu.memory_space<hbm>> -> memref<3597x128xf32, #tpu.memory_space<hbm>>
    tpu.enqueue_indirect_dma source(%dma_start3A_47 : memref<3597x128xf32, #tpu.memory_space<hbm>>) target(%dma_start3A_41 : memref<128x128xf32, #tpu.memory_space<vmem>>) offsets(%dma_start3A_44 : memref<128xi32, #tpu.memory_space<vmem>>) semaphore(%arg9 : memref<!tpu.dma_semaphore, #tpu.memory_space<semaphore_mem>>)
    %dma_start3A_48 = arith.constant 1 : i32
    %dma_start3A_49 = arith.constant 1 : i32
    %dma_start3A_50 = arith.constant 1 : i32
    %dma_start3A_51 = arith.constant 0 : i32
    %dma_start3A_52 = arith.constant 0 : i32
    %dma_start3A_53 = tpu.memref_slice %arg7[%dma_start3A_49, %dma_start3A_50, %dma_start3A_51, %dma_start3A_52] : memref<3x2x128x128xf32, #tpu.memory_space<vmem>> -> memref<1x1x128x128xf32, #tpu.memory_space<vmem>>
    %dma_start3A_54 = tpu.memref_squeeze %dma_start3A_53 : memref<1x1x128x128xf32, #tpu.memory_space<vmem>> -> memref<128x128xf32, #tpu.memory_space<vmem>>
    %dma_start3A_55 = arith.constant 128 : i32
    %dma_start3A_56 = tpu.memref_slice %arg6[%dma_start3A_48, %dma_start3A_55] : memref<2x512xi32, #tpu.memory_space<vmem>> -> memref<1x128xi32, #tpu.memory_space<vmem>>
    %dma_start3A_57 = tpu.memref_squeeze %dma_start3A_56 : memref<1x128xi32, #tpu.memory_space<vmem>> -> memref<128xi32, #tpu.memory_space<vmem>>
    %dma_start3A_58 = arith.constant 0 : i32
    %dma_start3A_59 = arith.constant 0 : i32
    %dma_start3A_60 = tpu.memref_slice %arg3[%dma_start3A_58, %dma_start3A_59] : memref<563x128xf32, #tpu.memory_space<hbm>> -> memref<563x128xf32, #tpu.memory_space<hbm>>
    tpu.enqueue_indirect_dma source(%dma_start3A_60 : memref<563x128xf32, #tpu.memory_space<hbm>>) target(%dma_start3A_54 : memref<128x128xf32, #tpu.memory_space<vmem>>) offsets(%dma_start3A_57 : memref<128xi32, #tpu.memory_space<vmem>>) semaphore(%arg9 : memref<!tpu.dma_semaphore, #tpu.memory_space<semaphore_mem>>)
    %dma_start3A_61 = arith.constant 0 : i32
    %dma_start3A_62 = arith.constant 2 : i32
    %dma_start3A_63 = arith.constant 0 : i32
    %dma_start3A_64 = arith.constant 0 : i32
    %dma_start3A_65 = arith.constant 0 : i32
    %dma_start3A_66 = tpu.memref_slice %arg7[%dma_start3A_62, %dma_start3A_63, %dma_start3A_64, %dma_start3A_65] : memref<3x2x128x128xf32, #tpu.memory_space<vmem>> -> memref<1x1x128x128xf32, #tpu.memory_space<vmem>>
    %dma_start3A_67 = tpu.memref_squeeze %dma_start3A_66 : memref<1x1x128x128xf32, #tpu.memory_space<vmem>> -> memref<128x128xf32, #tpu.memory_space<vmem>>
    %dma_start3A_68 = arith.constant 256 : i32
    %dma_start3A_69 = tpu.memref_slice %arg6[%dma_start3A_61, %dma_start3A_68] : memref<2x512xi32, #tpu.memory_space<vmem>> -> memref<1x128xi32, #tpu.memory_space<vmem>>
    %dma_start3A_70 = tpu.memref_squeeze %dma_start3A_69 : memref<1x128xi32, #tpu.memory_space<vmem>> -> memref<128xi32, #tpu.memory_space<vmem>>
    %dma_start3A_71 = arith.constant 0 : i32
    %dma_start3A_72 = arith.constant 0 : i32
    %dma_start3A_73 = tpu.memref_slice %arg2[%dma_start3A_71, %dma_start3A_72] : memref<3597x128xf32, #tpu.memory_space<hbm>> -> memref<3597x128xf32, #tpu.memory_space<hbm>>
    tpu.enqueue_indirect_dma source(%dma_start3A_73 : memref<3597x128xf32, #tpu.memory_space<hbm>>) target(%dma_start3A_67 : memref<128x128xf32, #tpu.memory_space<vmem>>) offsets(%dma_start3A_70 : memref<128xi32, #tpu.memory_space<vmem>>) semaphore(%arg10 : memref<!tpu.dma_semaphore, #tpu.memory_space<semaphore_mem>>)
    %dma_start3A_74 = arith.constant 1 : i32
    %dma_start3A_75 = arith.constant 2 : i32
    %dma_start3A_76 = arith.constant 1 : i32
    %dma_start3A_77 = arith.constant 0 : i32
    %dma_start3A_78 = arith.constant 0 : i32
    %dma_start3A_79 = tpu.memref_slice %arg7[%dma_start3A_75, %dma_start3A_76, %dma_start3A_77, %dma_start3A_78] : memref<3x2x128x128xf32, #tpu.memory_space<vmem>> -> memref<1x1x128x128xf32, #tpu.memory_space<vmem>>
    %dma_start3A_80 = tpu.memref_squeeze %dma_start3A_79 : memref<1x1x128x128xf32, #tpu.memory_space<vmem>> -> memref<128x128xf32, #tpu.memory_space<vmem>>
    %dma_start3A_81 = arith.constant 256 : i32
    %dma_start3A_82 = tpu.memref_slice %arg6[%dma_start3A_74, %dma_start3A_81] : memref<2x512xi32, #tpu.memory_space<vmem>> -> memref<1x128xi32, #tpu.memory_space<vmem>>
    %dma_start3A_83 = tpu.memref_squeeze %dma_start3A_82 : memref<1x128xi32, #tpu.memory_space<vmem>> -> memref<128xi32, #tpu.memory_space<vmem>>
    %dma_start3A_84 = arith.constant 0 : i32
    %dma_start3A_85 = arith.constant 0 : i32
    %dma_start3A_86 = tpu.memref_slice %arg3[%dma_start3A_84, %dma_start3A_85] : memref<563x128xf32, #tpu.memory_space<hbm>> -> memref<563x128xf32, #tpu.memory_space<hbm>>
    tpu.enqueue_indirect_dma source(%dma_start3A_86 : memref<563x128xf32, #tpu.memory_space<hbm>>) target(%dma_start3A_80 : memref<128x128xf32, #tpu.memory_space<vmem>>) offsets(%dma_start3A_83 : memref<128xi32, #tpu.memory_space<vmem>>) semaphore(%arg10 : memref<!tpu.dma_semaphore, #tpu.memory_space<semaphore_mem>>)
    %dma_wait3A = arith.constant 0 : i32
    %dma_wait3A_87 = arith.constant 0 : i32
    %dma_wait3A_88 = arith.constant 0 : i32
    %dma_wait3A_89 = arith.constant 0 : i32
    %dma_wait3A_90 = arith.constant 0 : i32
    %dma_wait3A_91 = tpu.memref_slice %arg7[%dma_wait3A_87, %dma_wait3A_88, %dma_wait3A_89, %dma_wait3A_90] : memref<3x2x128x128xf32, #tpu.memory_space<vmem>> -> memref<1x1x128x128xf32, #tpu.memory_space<vmem>>
    %dma_wait3A_92 = tpu.memref_squeeze %dma_wait3A_91 : memref<1x1x128x128xf32, #tpu.memory_space<vmem>> -> memref<128x128xf32, #tpu.memory_space<vmem>>
    %dma_wait3A_93 = arith.constant 0 : i32
    %dma_wait3A_94 = tpu.memref_slice %arg6[%dma_wait3A, %dma_wait3A_93] : memref<2x512xi32, #tpu.memory_space<vmem>> -> memref<1x128xi32, #tpu.memory_space<vmem>>
    %dma_wait3A_95 = tpu.memref_squeeze %dma_wait3A_94 : memref<1x128xi32, #tpu.memory_space<vmem>> -> memref<128xi32, #tpu.memory_space<vmem>>
    %dma_wait3A_96 = arith.constant 0 : i32
    %dma_wait3A_97 = arith.constant 0 : i32
    %dma_wait3A_98 = tpu.memref_slice %arg2[%dma_wait3A_96, %dma_wait3A_97] : memref<3597x128xf32, #tpu.memory_space<hbm>> -> memref<3597x128xf32, #tpu.memory_space<hbm>>
    tpu.wait_indirect_dma semaphore(%arg8 : memref<!tpu.dma_semaphore, #tpu.memory_space<semaphore_mem>>) src(%dma_wait3A_98 : memref<3597x128xf32, #tpu.memory_space<hbm>>) dst(%dma_wait3A_92 : memref<128x128xf32, #tpu.memory_space<vmem>>)
    %dma_wait3A_99 = arith.constant 1 : i32
    %dma_wait3A_100 = arith.constant 0 : i32
    %dma_wait3A_101 = arith.constant 1 : i32
    %dma_wait3A_102 = arith.constant 0 : i32
    %dma_wait3A_103 = arith.constant 0 : i32
    %dma_wait3A_104 = tpu.memref_slice %arg7[%dma_wait3A_100, %dma_wait3A_101, %dma_wait3A_102, %dma_wait3A_103] : memref<3x2x128x128xf32, #tpu.memory_space<vmem>> -> memref<1x1x128x128xf32, #tpu.memory_space<vmem>>
    %dma_wait3A_105 = tpu.memref_squeeze %dma_wait3A_104 : memref<1x1x128x128xf32, #tpu.memory_space<vmem>> -> memref<128x128xf32, #tpu.memory_space<vmem>>
    %dma_wait3A_106 = arith.constant 0 : i32
    %dma_wait3A_107 = tpu.memref_slice %arg6[%dma_wait3A_99, %dma_wait3A_106] : memref<2x512xi32, #tpu.memory_space<vmem>> -> memref<1x128xi32, #tpu.memory_space<vmem>>
    %dma_wait3A_108 = tpu.memref_squeeze %dma_wait3A_107 : memref<1x128xi32, #tpu.memory_space<vmem>> -> memref<128xi32, #tpu.memory_space<vmem>>
    %dma_wait3A_109 = arith.constant 0 : i32
    %dma_wait3A_110 = arith.constant 0 : i32
    %dma_wait3A_111 = tpu.memref_slice %arg3[%dma_wait3A_109, %dma_wait3A_110] : memref<563x128xf32, #tpu.memory_space<hbm>> -> memref<563x128xf32, #tpu.memory_space<hbm>>
    tpu.wait_indirect_dma semaphore(%arg8 : memref<!tpu.dma_semaphore, #tpu.memory_space<semaphore_mem>>) src(%dma_wait3A_111 : memref<563x128xf32, #tpu.memory_space<hbm>>) dst(%dma_wait3A_105 : memref<128x128xf32, #tpu.memory_space<vmem>>)
    %scan3A = arith.constant 0 : i32
    %scan3A_112 = arith.constant 0 : i32
    %scan3A_113 = arith.constant 128 : i32
    %scan3A_114 = arith.addi %scan3A_112, %scan3A_113 : i32
    %scan3A_115 = arith.constant 1 : i32
    scf.for %scan3A_367 = %scan3A_112 to %scan3A_114 step %scan3A_115  : i32 {
      %get3A = arith.constant 0 : i32
      %get3A_368 = arith.constant 0 : i32
      %get3A_369 = arith.index_cast %get3A : i32 to index
      %get3A_370 = arith.index_cast %get3A_368 : i32 to index
      %get3A_371 = arith.index_cast %scan3A_367 : i32 to index
      %get3A_372 = arith.constant 0 : index
      %get3A_373 = tpu.vector_load %arg7[%get3A_369, %get3A_370, %get3A_371, %get3A_372] {strides = array<i32>} : memref<3x2x128x128xf32, #tpu.memory_space<vmem>>, vector<1x1x1x16xf32>,
      %get3A_374 = vector.shape_cast %get3A_373 : vector<1x1x1x16xf32> to vector<16xf32>
      %get3A_375 = arith.constant 0 : i32
      %get3A_376 = arith.constant 1 : i32
      %get3A_377 = arith.index_cast %get3A_375 : i32 to index
      %get3A_378 = arith.index_cast %get3A_376 : i32 to index
      %get3A_379 = arith.index_cast %scan3A_367 : i32 to index
      %get3A_380 = arith.constant 0 : index
      %get3A_381 = tpu.vector_load %arg7[%get3A_377, %get3A_378, %get3A_379, %get3A_380] {strides = array<i32>} : memref<3x2x128x128xf32, #tpu.memory_space<vmem>>, vector<1x1x1x16xf32>,
      %get3A_382 = vector.shape_cast %get3A_381 : vector<1x1x1x16xf32> to vector<16xf32>
      %add3A_383 = arith.addf %get3A_374, %get3A_382 : vector<16xf32>
      %swap3A = arith.constant 0 : i32
      %swap3A_384 = arith.constant 0 : i32
      %swap3A_385 = arith.index_cast %swap3A : i32 to index
      %swap3A_386 = arith.index_cast %swap3A_384 : i32 to index
      %swap3A_387 = arith.index_cast %scan3A_367 : i32 to index
      %swap3A_388 = arith.constant 0 : index
      %swap3A_389 = tpu.vector_load %arg7[%swap3A_385, %swap3A_386, %swap3A_387, %swap3A_388] {strides = array<i32>} : memref<3x2x128x128xf32, #tpu.memory_space<vmem>>, vector<1x1x1x16xf32>,
      %swap3A_390 = vector.shape_cast %swap3A_389 : vector<1x1x1x16xf32> to vector<16xf32>
      %swap3A_391 = vector.shape_cast %add3A_383 : vector<16xf32> to vector<1x1x1x16xf32>
      tpu.vector_store %arg7[%swap3A_385, %swap3A_386, %swap3A_387, %swap3A_388], %swap3A_391 {strides = array<i32>} : memref<3x2x128x128xf32, #tpu.memory_space<vmem>>, vector<1x1x1x16xf32>,
      %get3A_392 = arith.constant 0 : i32
      %get3A_393 = arith.constant 0 : i32
      %get3A_394 = arith.index_cast %get3A_392 : i32 to index
      %get3A_395 = arith.index_cast %get3A_393 : i32 to index
      %get3A_396 = arith.index_cast %scan3A_367 : i32 to index
      %get3A_397 = arith.constant 16 : index
      %get3A_398 = tpu.vector_load %arg7[%get3A_394, %get3A_395, %get3A_396, %get3A_397] {strides = array<i32>} : memref<3x2x128x128xf32, #tpu.memory_space<vmem>>, vector<1x1x1x16xf32>,
      %get3A_399 = vector.shape_cast %get3A_398 : vector<1x1x1x16xf32> to vector<16xf32>
      %get3A_400 = arith.constant 0 : i32
      %get3A_401 = arith.constant 1 : i32
      %get3A_402 = arith.index_cast %get3A_400 : i32 to index
      %get3A_403 = arith.index_cast %get3A_401 : i32 to index
      %get3A_404 = arith.index_cast %scan3A_367 : i32 to index
      %get3A_405 = arith.constant 16 : index
      %get3A_406 = tpu.vector_load %arg7[%get3A_402, %get3A_403, %get3A_404, %get3A_405] {strides = array<i32>} : memref<3x2x128x128xf32, #tpu.memory_space<vmem>>, vector<1x1x1x16xf32>,
      %get3A_407 = vector.shape_cast %get3A_406 : vector<1x1x1x16xf32> to vector<16xf32>
      %add3A_408 = arith.addf %get3A_399, %get3A_407 : vector<16xf32>
      %swap3A_409 = arith.constant 0 : i32
      %swap3A_410 = arith.constant 0 : i32
      %swap3A_411 = arith.index_cast %swap3A_409 : i32 to index
      %swap3A_412 = arith.index_cast %swap3A_410 : i32 to index
      %swap3A_413 = arith.index_cast %scan3A_367 : i32 to index
      %swap3A_414 = arith.constant 16 : index
      %swap3A_415 = tpu.vector_load %arg7[%swap3A_411, %swap3A_412, %swap3A_413, %swap3A_414] {strides = array<i32>} : memref<3x2x128x128xf32, #tpu.memory_space<vmem>>, vector<1x1x1x16xf32>,
      %swap3A_416 = vector.shape_cast %swap3A_415 : vector<1x1x1x16xf32> to vector<16xf32>
      %swap3A_417 = vector.shape_cast %add3A_408 : vector<16xf32> to vector<1x1x1x16xf32>
      tpu.vector_store %arg7[%swap3A_411, %swap3A_412, %swap3A_413, %swap3A_414], %swap3A_417 {strides = array<i32>} : memref<3x2x128x128xf32, #tpu.memory_space<vmem>>, vector<1x1x1x16xf32>,
      %get3A_418 = arith.constant 0 : i32
      %get3A_419 = arith.constant 0 : i32
      %get3A_420 = arith.index_cast %get3A_418 : i32 to index
      %get3A_421 = arith.index_cast %get3A_419 : i32 to index
      %get3A_422 = arith.index_cast %scan3A_367 : i32 to index
      %get3A_423 = arith.constant 32 : index
      %get3A_424 = tpu.vector_load %arg7[%get3A_420, %get3A_421, %get3A_422, %get3A_423] {strides = array<i32>} : memref<3x2x128x128xf32, #tpu.memory_space<vmem>>, vector<1x1x1x16xf32>,
      %get3A_425 = vector.shape_cast %get3A_424 : vector<1x1x1x16xf32> to vector<16xf32>
      %get3A_426 = arith.constant 0 : i32
      %get3A_427 = arith.constant 1 : i32
      %get3A_428 = arith.index_cast %get3A_426 : i32 to index
      %get3A_429 = arith.index_cast %get3A_427 : i32 to index
      %get3A_430 = arith.index_cast %scan3A_367 : i32 to index
      %get3A_431 = arith.constant 32 : index
      %get3A_432 = tpu.vector_load %arg7[%get3A_428, %get3A_429, %get3A_430, %get3A_431] {strides = array<i32>} : memref<3x2x128x128xf32, #tpu.memory_space<vmem>>, vector<1x1x1x16xf32>,
      %get3A_433 = vector.shape_cast %get3A_432 : vector<1x1x1x16xf32> to vector<16xf32>
      %add3A_434 = arith.addf %get3A_425, %get3A_433 : vector<16xf32>
      %swap3A_435 = arith.constant 0 : i32
      %swap3A_436 = arith.constant 0 : i32
      %swap3A_437 = arith.index_cast %swap3A_435 : i32 to index
      %swap3A_438 = arith.index_cast %swap3A_436 : i32 to index
      %swap3A_439 = arith.index_cast %scan3A_367 : i32 to index
      %swap3A_440 = arith.constant 32 : index
      %swap3A_441 = tpu.vector_load %arg7[%swap3A_437, %swap3A_438, %swap3A_439, %swap3A_440] {strides = array<i32>} : memref<3x2x128x128xf32, #tpu.memory_space<vmem>>, vector<1x1x1x16xf32>,
      %swap3A_442 = vector.shape_cast %swap3A_441 : vector<1x1x1x16xf32> to vector<16xf32>
      %swap3A_443 = vector.shape_cast %add3A_434 : vector<16xf32> to vector<1x1x1x16xf32>
      tpu.vector_store %arg7[%swap3A_437, %swap3A_438, %swap3A_439, %swap3A_440], %swap3A_443 {strides = array<i32>} : memref<3x2x128x128xf32, #tpu.memory_space<vmem>>, vector<1x1x1x16xf32>,
      %get3A_444 = arith.constant 0 : i32
      %get3A_445 = arith.constant 0 : i32
      %get3A_446 = arith.index_cast %get3A_444 : i32 to index
      %get3A_447 = arith.index_cast %get3A_445 : i32 to index
      %get3A_448 = arith.index_cast %scan3A_367 : i32 to index
      %get3A_449 = arith.constant 48 : index
      %get3A_450 = tpu.vector_load %arg7[%get3A_446, %get3A_447, %get3A_448, %get3A_449] {strides = array<i32>} : memref<3x2x128x128xf32, #tpu.memory_space<vmem>>, vector<1x1x1x16xf32>,
      %get3A_451 = vector.shape_cast %get3A_450 : vector<1x1x1x16xf32> to vector<16xf32>
      %get3A_452 = arith.constant 0 : i32
      %get3A_453 = arith.constant 1 : i32
      %get3A_454 = arith.index_cast %get3A_452 : i32 to index
      %get3A_455 = arith.index_cast %get3A_453 : i32 to index
      %get3A_456 = arith.index_cast %scan3A_367 : i32 to index
      %get3A_457 = arith.constant 48 : index
      %get3A_458 = tpu.vector_load %arg7[%get3A_454, %get3A_455, %get3A_456, %get3A_457] {strides = array<i32>} : memref<3x2x128x128xf32, #tpu.memory_space<vmem>>, vector<1x1x1x16xf32>,
      %get3A_459 = vector.shape_cast %get3A_458 : vector<1x1x1x16xf32> to vector<16xf32>
      %add3A_460 = arith.addf %get3A_451, %get3A_459 : vector<16xf32>
      %swap3A_461 = arith.constant 0 : i32
      %swap3A_462 = arith.constant 0 : i32
      %swap3A_463 = arith.index_cast %swap3A_461 : i32 to index
      %swap3A_464 = arith.index_cast %swap3A_462 : i32 to index
      %swap3A_465 = arith.index_cast %scan3A_367 : i32 to index
      %swap3A_466 = arith.constant 48 : index
      %swap3A_467 = tpu.vector_load %arg7[%swap3A_463, %swap3A_464, %swap3A_465, %swap3A_466] {strides = array<i32>} : memref<3x2x128x128xf32, #tpu.memory_space<vmem>>, vector<1x1x1x16xf32>,
      %swap3A_468 = vector.shape_cast %swap3A_467 : vector<1x1x1x16xf32> to vector<16xf32>
      %swap3A_469 = vector.shape_cast %add3A_460 : vector<16xf32> to vector<1x1x1x16xf32>
      tpu.vector_store %arg7[%swap3A_463, %swap3A_464, %swap3A_465, %swap3A_466], %swap3A_469 {strides = array<i32>} : memref<3x2x128x128xf32, #tpu.memory_space<vmem>>, vector<1x1x1x16xf32>,
      %get3A_470 = arith.constant 0 : i32
      %get3A_471 = arith.constant 0 : i32
      %get3A_472 = arith.index_cast %get3A_470 : i32 to index
      %get3A_473 = arith.index_cast %get3A_471 : i32 to index
      %get3A_474 = arith.index_cast %scan3A_367 : i32 to index
      %get3A_475 = arith.constant 64 : index
      %get3A_476 = tpu.vector_load %arg7[%get3A_472, %get3A_473, %get3A_474, %get3A_475] {strides = array<i32>} : memref<3x2x128x128xf32, #tpu.memory_space<vmem>>, vector<1x1x1x16xf32>,
      %get3A_477 = vector.shape_cast %get3A_476 : vector<1x1x1x16xf32> to vector<16xf32>
      %get3A_478 = arith.constant 0 : i32
      %get3A_479 = arith.constant 1 : i32
      %get3A_480 = arith.index_cast %get3A_478 : i32 to index
      %get3A_481 = arith.index_cast %get3A_479 : i32 to index
      %get3A_482 = arith.index_cast %scan3A_367 : i32 to index
      %get3A_483 = arith.constant 64 : index
      %get3A_484 = tpu.vector_load %arg7[%get3A_480, %get3A_481, %get3A_482, %get3A_483] {strides = array<i32>} : memref<3x2x128x128xf32, #tpu.memory_space<vmem>>, vector<1x1x1x16xf32>,
      %get3A_485 = vector.shape_cast %get3A_484 : vector<1x1x1x16xf32> to vector<16xf32>
      %add3A_486 = arith.addf %get3A_477, %get3A_485 : vector<16xf32>
      %swap3A_487 = arith.constant 0 : i32
      %swap3A_488 = arith.constant 0 : i32
      %swap3A_489 = arith.index_cast %swap3A_487 : i32 to index
      %swap3A_490 = arith.index_cast %swap3A_488 : i32 to index
      %swap3A_491 = arith.index_cast %scan3A_367 : i32 to index
      %swap3A_492 = arith.constant 64 : index
      %swap3A_493 = tpu.vector_load %arg7[%swap3A_489, %swap3A_490, %swap3A_491, %swap3A_492] {strides = array<i32>} : memref<3x2x128x128xf32, #tpu.memory_space<vmem>>, vector<1x1x1x16xf32>,
      %swap3A_494 = vector.shape_cast %swap3A_493 : vector<1x1x1x16xf32> to vector<16xf32>
      %swap3A_495 = vector.shape_cast %add3A_486 : vector<16xf32> to vector<1x1x1x16xf32>
      tpu.vector_store %arg7[%swap3A_489, %swap3A_490, %swap3A_491, %swap3A_492], %swap3A_495 {strides = array<i32>} : memref<3x2x128x128xf32, #tpu.memory_space<vmem>>, vector<1x1x1x16xf32>,
      %get3A_496 = arith.constant 0 : i32
      %get3A_497 = arith.constant 0 : i32
      %get3A_498 = arith.index_cast %get3A_496 : i32 to index
      %get3A_499 = arith.index_cast %get3A_497 : i32 to index
      %get3A_500 = arith.index_cast %scan3A_367 : i32 to index
      %get3A_501 = arith.constant 80 : index
      %get3A_502 = tpu.vector_load %arg7[%get3A_498, %get3A_499, %get3A_500, %get3A_501] {strides = array<i32>} : memref<3x2x128x128xf32, #tpu.memory_space<vmem>>, vector<1x1x1x16xf32>,
      %get3A_503 = vector.shape_cast %get3A_502 : vector<1x1x1x16xf32> to vector<16xf32>
      %get3A_504 = arith.constant 0 : i32
      %get3A_505 = arith.constant 1 : i32
      %get3A_506 = arith.index_cast %get3A_504 : i32 to index
      %get3A_507 = arith.index_cast %get3A_505 : i32 to index
      %get3A_508 = arith.index_cast %scan3A_367 : i32 to index
      %get3A_509 = arith.constant 80 : index
      %get3A_510 = tpu.vector_load %arg7[%get3A_506, %get3A_507, %get3A_508, %get3A_509] {strides = array<i32>} : memref<3x2x128x128xf32, #tpu.memory_space<vmem>>, vector<1x1x1x16xf32>,
      %get3A_511 = vector.shape_cast %get3A_510 : vector<1x1x1x16xf32> to vector<16xf32>
      %add3A_512 = arith.addf %get3A_503, %get3A_511 : vector<16xf32>
      %swap3A_513 = arith.constant 0 : i32
      %swap3A_514 = arith.constant 0 : i32
      %swap3A_515 = arith.index_cast %swap3A_513 : i32 to index
      %swap3A_516 = arith.index_cast %swap3A_514 : i32 to index
      %swap3A_517 = arith.index_cast %scan3A_367 : i32 to index
      %swap3A_518 = arith.constant 80 : index
      %swap3A_519 = tpu.vector_load %arg7[%swap3A_515, %swap3A_516, %swap3A_517, %swap3A_518] {strides = array<i32>} : memref<3x2x128x128xf32, #tpu.memory_space<vmem>>, vector<1x1x1x16xf32>,
      %swap3A_520 = vector.shape_cast %swap3A_519 : vector<1x1x1x16xf32> to vector<16xf32>
      %swap3A_521 = vector.shape_cast %add3A_512 : vector<16xf32> to vector<1x1x1x16xf32>
      tpu.vector_store %arg7[%swap3A_515, %swap3A_516, %swap3A_517, %swap3A_518], %swap3A_521 {strides = array<i32>} : memref<3x2x128x128xf32, #tpu.memory_space<vmem>>, vector<1x1x1x16xf32>,
      %get3A_522 = arith.constant 0 : i32
      %get3A_523 = arith.constant 0 : i32
      %get3A_524 = arith.index_cast %get3A_522 : i32 to index
      %get3A_525 = arith.index_cast %get3A_523 : i32 to index
      %get3A_526 = arith.index_cast %scan3A_367 : i32 to index
      %get3A_527 = arith.constant 96 : index
      %get3A_528 = tpu.vector_load %arg7[%get3A_524, %get3A_525, %get3A_526, %get3A_527] {strides = array<i32>} : memref<3x2x128x128xf32, #tpu.memory_space<vmem>>, vector<1x1x1x16xf32>,
      %get3A_529 = vector.shape_cast %get3A_528 : vector<1x1x1x16xf32> to vector<16xf32>
      %get3A_530 = arith.constant 0 : i32
      %get3A_531 = arith.constant 1 : i32
      %get3A_532 = arith.index_cast %get3A_530 : i32 to index
      %get3A_533 = arith.index_cast %get3A_531 : i32 to index
      %get3A_534 = arith.index_cast %scan3A_367 : i32 to index
      %get3A_535 = arith.constant 96 : index
      %get3A_536 = tpu.vector_load %arg7[%get3A_532, %get3A_533, %get3A_534, %get3A_535] {strides = array<i32>} : memref<3x2x128x128xf32, #tpu.memory_space<vmem>>, vector<1x1x1x16xf32>,
      %get3A_537 = vector.shape_cast %get3A_536 : vector<1x1x1x16xf32> to vector<16xf32>
      %add3A_538 = arith.addf %get3A_529, %get3A_537 : vector<16xf32>
      %swap3A_539 = arith.constant 0 : i32
      %swap3A_540 = arith.constant 0 : i32
      %swap3A_541 = arith.index_cast %swap3A_539 : i32 to index
      %swap3A_542 = arith.index_cast %swap3A_540 : i32 to index
      %swap3A_543 = arith.index_cast %scan3A_367 : i32 to index
      %swap3A_544 = arith.constant 96 : index
      %swap3A_545 = tpu.vector_load %arg7[%swap3A_541, %swap3A_542, %swap3A_543, %swap3A_544] {strides = array<i32>} : memref<3x2x128x128xf32, #tpu.memory_space<vmem>>, vector<1x1x1x16xf32>,
      %swap3A_546 = vector.shape_cast %swap3A_545 : vector<1x1x1x16xf32> to vector<16xf32>
      %swap3A_547 = vector.shape_cast %add3A_538 : vector<16xf32> to vector<1x1x1x16xf32>
      tpu.vector_store %arg7[%swap3A_541, %swap3A_542, %swap3A_543, %swap3A_544], %swap3A_547 {strides = array<i32>} : memref<3x2x128x128xf32, #tpu.memory_space<vmem>>, vector<1x1x1x16xf32>,
      %get3A_548 = arith.constant 0 : i32
      %get3A_549 = arith.constant 0 : i32
      %get3A_550 = arith.index_cast %get3A_548 : i32 to index
      %get3A_551 = arith.index_cast %get3A_549 : i32 to index
      %get3A_552 = arith.index_cast %scan3A_367 : i32 to index
      %get3A_553 = arith.constant 112 : index
      %get3A_554 = tpu.vector_load %arg7[%get3A_550, %get3A_551, %get3A_552, %get3A_553] {strides = array<i32>} : memref<3x2x128x128xf32, #tpu.memory_space<vmem>>, vector<1x1x1x16xf32>,
      %get3A_555 = vector.shape_cast %get3A_554 : vector<1x1x1x16xf32> to vector<16xf32>
      %get3A_556 = arith.constant 0 : i32
      %get3A_557 = arith.constant 1 : i32
      %get3A_558 = arith.index_cast %get3A_556 : i32 to index
      %get3A_559 = arith.index_cast %get3A_557 : i32 to index
      %get3A_560 = arith.index_cast %scan3A_367 : i32 to index
      %get3A_561 = arith.constant 112 : index
      %get3A_562 = tpu.vector_load %arg7[%get3A_558, %get3A_559, %get3A_560, %get3A_561] {strides = array<i32>} : memref<3x2x128x128xf32, #tpu.memory_space<vmem>>, vector<1x1x1x16xf32>,
      %get3A_563 = vector.shape_cast %get3A_562 : vector<1x1x1x16xf32> to vector<16xf32>
      %add3A_564 = arith.addf %get3A_555, %get3A_563 : vector<16xf32>
      %swap3A_565 = arith.constant 0 : i32
      %swap3A_566 = arith.constant 0 : i32
      %swap3A_567 = arith.index_cast %swap3A_565 : i32 to index
      %swap3A_568 = arith.index_cast %swap3A_566 : i32 to index
      %swap3A_569 = arith.index_cast %scan3A_367 : i32 to index
      %swap3A_570 = arith.constant 112 : index
      %swap3A_571 = tpu.vector_load %arg7[%swap3A_567, %swap3A_568, %swap3A_569, %swap3A_570] {strides = array<i32>} : memref<3x2x128x128xf32, #tpu.memory_space<vmem>>, vector<1x1x1x16xf32>,
      %swap3A_572 = vector.shape_cast %swap3A_571 : vector<1x1x1x16xf32> to vector<16xf32>
      %swap3A_573 = vector.shape_cast %add3A_564 : vector<16xf32> to vector<1x1x1x16xf32>
      tpu.vector_store %arg7[%swap3A_567, %swap3A_568, %swap3A_569, %swap3A_570], %swap3A_573 {strides = array<i32>} : memref<3x2x128x128xf32, #tpu.memory_space<vmem>>, vector<1x1x1x16xf32>,
    }
    %scan3A_116 = arith.constant 128 : i32
    %mul3A_117 = arith.constant 512 : i32
    %mul3A_118 = arith.muli %add3A, %mul3A_117 : i32
    %add3A_119 = arith.constant 0 : i32
    %add3A_120 = arith.addi %mul3A_118, %add3A_119 : i32
    %dma_start3A_121 = arith.constant 0 : i32
    %dma_start3A_122 = arith.constant 0 : i32
    %dma_start3A_123 = arith.constant 0 : i32
    %dma_start3A_124 = arith.constant 0 : i32
    %dma_start3A_125 = tpu.memref_slice %arg7[%dma_start3A_121, %dma_start3A_122, %dma_start3A_123, %dma_start3A_124] : memref<3x2x128x128xf32, #tpu.memory_space<vmem>> -> memref<1x1x128x128xf32, #tpu.memory_space<vmem>>
    %dma_start3A_126 = tpu.memref_squeeze %dma_start3A_125 : memref<1x1x128x128xf32, #tpu.memory_space<vmem>> -> memref<128x128xf32, #tpu.memory_space<vmem>>
    %dma_start3A_127 = arith.constant 0 : i32
    %dma_start3A_128 = tpu.memref_slice %arg5[%add3A_120, %dma_start3A_127] : memref<16384x128xf32, #tpu.memory_space<hbm>> -> memref<128x128xf32, #tpu.memory_space<hbm>>
    %dma_start3A_129 = arith.constant 0 : i32
    %dma_start3A_130 = tpu.memref_slice %arg5[%add3A_120, %dma_start3A_129] : memref<16384x128xf32, #tpu.memory_space<hbm>> -> memref<128x128xf32, #tpu.memory_space<hbm>>
    %dma_start3A_131 = arith.constant 0 : i32
    %dma_start3A_132 = arith.constant 0 : i32
    %dma_start3A_133 = tpu.memref_slice %arg7[%dma_start3A_121, %dma_start3A_122, %dma_start3A_131, %dma_start3A_132] : memref<3x2x128x128xf32, #tpu.memory_space<vmem>> -> memref<1x1x128x128xf32, #tpu.memory_space<vmem>>
    %dma_start3A_134 = tpu.memref_squeeze %dma_start3A_133 : memref<1x1x128x128xf32, #tpu.memory_space<vmem>> -> memref<128x128xf32, #tpu.memory_space<vmem>>
    tpu.enqueue_dma source(%dma_start3A_134 : memref<128x128xf32, #tpu.memory_space<vmem>>) target(%dma_start3A_130 : memref<128x128xf32, #tpu.memory_space<hbm>>) target_semaphore(%arg11 : memref<!tpu.dma_semaphore, #tpu.memory_space<semaphore_mem>>)
    %dma_wait3A_135 = arith.constant 0 : i32
    %dma_wait3A_136 = arith.constant 0 : i32
    %dma_wait3A_137 = arith.constant 0 : i32
    %dma_wait3A_138 = arith.constant 0 : i32
    %dma_wait3A_139 = tpu.memref_slice %arg7[%dma_wait3A_135, %dma_wait3A_136, %dma_wait3A_137, %dma_wait3A_138] : memref<3x2x128x128xf32, #tpu.memory_space<vmem>> -> memref<1x1x128x128xf32, #tpu.memory_space<vmem>>
    %dma_wait3A_140 = tpu.memref_squeeze %dma_wait3A_139 : memref<1x1x128x128xf32, #tpu.memory_space<vmem>> -> memref<128x128xf32, #tpu.memory_space<vmem>>
    %dma_wait3A_141 = arith.constant 0 : i32
    %dma_wait3A_142 = tpu.memref_slice %arg5[%add3A_120, %dma_wait3A_141] : memref<16384x128xf32, #tpu.memory_space<hbm>> -> memref<128x128xf32, #tpu.memory_space<hbm>>
    %dma_wait3A_143 = arith.constant 0 : i32
    %dma_wait3A_144 = tpu.memref_slice %arg5[%add3A_120, %dma_wait3A_143] : memref<16384x128xf32, #tpu.memory_space<hbm>> -> memref<128x128xf32, #tpu.memory_space<hbm>>
    %dma_wait3A_145 = arith.constant 0 : i32
    %dma_wait3A_146 = arith.constant 0 : i32
    %dma_wait3A_147 = tpu.memref_slice %arg7[%dma_wait3A_135, %dma_wait3A_136, %dma_wait3A_145, %dma_wait3A_146] : memref<3x2x128x128xf32, #tpu.memory_space<vmem>> -> memref<1x1x128x128xf32, #tpu.memory_space<vmem>>
    %dma_wait3A_148 = tpu.memref_squeeze %dma_wait3A_147 : memref<1x1x128x128xf32, #tpu.memory_space<vmem>> -> memref<128x128xf32, #tpu.memory_space<vmem>>
    tpu.wait_dma2 semaphore(%arg11 : memref<!tpu.dma_semaphore, #tpu.memory_space<semaphore_mem>>) src(%dma_wait3A_148 : memref<128x128xf32, #tpu.memory_space<vmem>>) dst(%dma_wait3A_144 : memref<128x128xf32, #tpu.memory_space<hbm>>)
    %dma_start3A_149 = arith.constant 0 : i32
    %dma_start3A_150 = arith.constant 0 : i32
    %dma_start3A_151 = arith.constant 0 : i32
    %dma_start3A_152 = arith.constant 0 : i32
    %dma_start3A_153 = arith.constant 0 : i32
    %dma_start3A_154 = tpu.memref_slice %arg7[%dma_start3A_150, %dma_start3A_151, %dma_start3A_152, %dma_start3A_153] : memref<3x2x128x128xf32, #tpu.memory_space<vmem>> -> memref<1x1x128x128xf32, #tpu.memory_space<vmem>>
    %dma_start3A_155 = tpu.memref_squeeze %dma_start3A_154 : memref<1x1x128x128xf32, #tpu.memory_space<vmem>> -> memref<128x128xf32, #tpu.memory_space<vmem>>
    %dma_start3A_156 = arith.constant 384 : i32
    %dma_start3A_157 = tpu.memref_slice %arg6[%dma_start3A_149, %dma_start3A_156] : memref<2x512xi32, #tpu.memory_space<vmem>> -> memref<1x128xi32, #tpu.memory_space<vmem>>
    %dma_start3A_158 = tpu.memref_squeeze %dma_start3A_157 : memref<1x128xi32, #tpu.memory_space<vmem>> -> memref<128xi32, #tpu.memory_space<vmem>>
    %dma_start3A_159 = arith.constant 0 : i32
    %dma_start3A_160 = arith.constant 0 : i32
    %dma_start3A_161 = tpu.memref_slice %arg2[%dma_start3A_159, %dma_start3A_160] : memref<3597x128xf32, #tpu.memory_space<hbm>> -> memref<3597x128xf32, #tpu.memory_space<hbm>>
    tpu.enqueue_indirect_dma source(%dma_start3A_161 : memref<3597x128xf32, #tpu.memory_space<hbm>>) target(%dma_start3A_155 : memref<128x128xf32, #tpu.memory_space<vmem>>) offsets(%dma_start3A_158 : memref<128xi32, #tpu.memory_space<vmem>>) semaphore(%arg8 : memref<!tpu.dma_semaphore, #tpu.memory_space<semaphore_mem>>)
    %dma_start3A_162 = arith.constant 1 : i32
    %dma_start3A_163 = arith.constant 0 : i32
    %dma_start3A_164 = arith.constant 1 : i32
    %dma_start3A_165 = arith.constant 0 : i32
    %dma_start3A_166 = arith.constant 0 : i32
    %dma_start3A_167 = tpu.memref_slice %arg7[%dma_start3A_163, %dma_start3A_164, %dma_start3A_165, %dma_start3A_166] : memref<3x2x128x128xf32, #tpu.memory_space<vmem>> -> memref<1x1x128x128xf32, #tpu.memory_space<vmem>>
    %dma_start3A_168 = tpu.memref_squeeze %dma_start3A_167 : memref<1x1x128x128xf32, #tpu.memory_space<vmem>> -> memref<128x128xf32, #tpu.memory_space<vmem>>
    %dma_start3A_169 = arith.constant 384 : i32
    %dma_start3A_170 = tpu.memref_slice %arg6[%dma_start3A_162, %dma_start3A_169] : memref<2x512xi32, #tpu.memory_space<vmem>> -> memref<1x128xi32, #tpu.memory_space<vmem>>
    %dma_start3A_171 = tpu.memref_squeeze %dma_start3A_170 : memref<1x128xi32, #tpu.memory_space<vmem>> -> memref<128xi32, #tpu.memory_space<vmem>>
    %dma_start3A_172 = arith.constant 0 : i32
    %dma_start3A_173 = arith.constant 0 : i32
    %dma_start3A_174 = tpu.memref_slice %arg3[%dma_start3A_172, %dma_start3A_173] : memref<563x128xf32, #tpu.memory_space<hbm>> -> memref<563x128xf32, #tpu.memory_space<hbm>>
    tpu.enqueue_indirect_dma source(%dma_start3A_174 : memref<563x128xf32, #tpu.memory_space<hbm>>) target(%dma_start3A_168 : memref<128x128xf32, #tpu.memory_space<vmem>>) offsets(%dma_start3A_171 : memref<128xi32, #tpu.memory_space<vmem>>) semaphore(%arg8 : memref<!tpu.dma_semaphore, #tpu.memory_space<semaphore_mem>>)
    %dma_wait3A_175 = arith.constant 0 : i32
    %dma_wait3A_176 = arith.constant 1 : i32
    %dma_wait3A_177 = arith.constant 0 : i32
    %dma_wait3A_178 = arith.constant 0 : i32
    %dma_wait3A_179 = arith.constant 0 : i32
    %dma_wait3A_180 = tpu.memref_slice %arg7[%dma_wait3A_176, %dma_wait3A_177, %dma_wait3A_178, %dma_wait3A_179] : memref<3x2x128x128xf32, #tpu.memory_space<vmem>> -> memref<1x1x128x128xf32, #tpu.memory_space<vmem>>
    %dma_wait3A_181 = tpu.memref_squeeze %dma_wait3A_180 : memref<1x1x128x128xf32, #tpu.memory_space<vmem>> -> memref<128x128xf32, #tpu.memory_space<vmem>>
    %dma_wait3A_182 = arith.constant 128 : i32
    %dma_wait3A_183 = tpu.memref_slice %arg6[%dma_wait3A_175, %dma_wait3A_182] : memref<2x512xi32, #tpu.memory_space<vmem>> -> memref<1x128xi32, #tpu.memory_space<vmem>>
    %dma_wait3A_184 = tpu.memref_squeeze %dma_wait3A_183 : memref<1x128xi32, #tpu.memory_space<vmem>> -> memref<128xi32, #tpu.memory_space<vmem>>
    %dma_wait3A_185 = arith.constant 0 : i32
    %dma_wait3A_186 = arith.constant 0 : i32
    %dma_wait3A_187 = tpu.memref_slice %arg2[%dma_wait3A_185, %dma_wait3A_186] : memref<3597x128xf32, #tpu.memory_space<hbm>> -> memref<3597x128xf32, #tpu.memory_space<hbm>>
    tpu.wait_indirect_dma semaphore(%arg9 : memref<!tpu.dma_semaphore, #tpu.memory_space<semaphore_mem>>) src(%dma_wait3A_187 : memref<3597x128xf32, #tpu.memory_space<hbm>>) dst(%dma_wait3A_181 : memref<128x128xf32, #tpu.memory_space<vmem>>)
    %dma_wait3A_188 = arith.constant 1 : i32
    %dma_wait3A_189 = arith.constant 1 : i32
    %dma_wait3A_190 = arith.constant 1 : i32
    %dma_wait3A_191 = arith.constant 0 : i32
    %dma_wait3A_192 = arith.constant 0 : i32
    %dma_wait3A_193 = tpu.memref_slice %arg7[%dma_wait3A_189, %dma_wait3A_190, %dma_wait3A_191, %dma_wait3A_192] : memref<3x2x128x128xf32, #tpu.memory_space<vmem>> -> memref<1x1x128x128xf32, #tpu.memory_space<vmem>>
    %dma_wait3A_194 = tpu.memref_squeeze %dma_wait3A_193 : memref<1x1x128x128xf32, #tpu.memory_space<vmem>> -> memref<128x128xf32, #tpu.memory_space<vmem>>
    %dma_wait3A_195 = arith.constant 128 : i32
    %dma_wait3A_196 = tpu.memref_slice %arg6[%dma_wait3A_188, %dma_wait3A_195] : memref<2x512xi32, #tpu.memory_space<vmem>> -> memref<1x128xi32, #tpu.memory_space<vmem>>
    %dma_wait3A_197 = tpu.memref_squeeze %dma_wait3A_196 : memref<1x128xi32, #tpu.memory_space<vmem>> -> memref<128xi32, #tpu.memory_space<vmem>>
    %dma_wait3A_198 = arith.constant 0 : i32
    %dma_wait3A_199 = arith.constant 0 : i32
    %dma_wait3A_200 = tpu.memref_slice %arg3[%dma_wait3A_198, %dma_wait3A_199] : memref<563x128xf32, #tpu.memory_space<hbm>> -> memref<563x128xf32, #tpu.memory_space<hbm>>
    tpu.wait_indirect_dma semaphore(%arg9 : memref<!tpu.dma_semaphore, #tpu.memory_space<semaphore_mem>>) src(%dma_wait3A_200 : memref<563x128xf32, #tpu.memory_space<hbm>>) dst(%dma_wait3A_194 : memref<128x128xf32, #tpu.memory_space<vmem>>)
    %scan3A_201 = arith.constant 0 : i32
    %scan3A_202 = arith.constant 0 : i32
    %scan3A_203 = arith.constant 128 : i32
    %scan3A_204 = arith.addi %scan3A_202, %scan3A_203 : i32
    %scan3A_205 = arith.constant 1 : i32
    scf.for %scan3A_367 = %scan3A_202 to %scan3A_204 step %scan3A_205  : i32 {
      %get3A = arith.constant 1 : i32
      %get3A_368 = arith.constant 0 : i32
      %get3A_369 = arith.index_cast %get3A : i32 to index
      %get3A_370 = arith.index_cast %get3A_368 : i32 to index
      %get3A_371 = arith.index_cast %scan3A_367 : i32 to index
      %get3A_372 = arith.constant 0 : index
      %get3A_373 = tpu.vector_load %arg7[%get3A_369, %get3A_370, %get3A_371, %get3A_372] {strides = array<i32>} : memref<3x2x128x128xf32, #tpu.memory_space<vmem>>, vector<1x1x1x16xf32>,
      %get3A_374 = vector.shape_cast %get3A_373 : vector<1x1x1x16xf32> to vector<16xf32>
      %get3A_375 = arith.constant 1 : i32
      %get3A_376 = arith.constant 1 : i32
      %get3A_377 = arith.index_cast %get3A_375 : i32 to index
      %get3A_378 = arith.index_cast %get3A_376 : i32 to index
      %get3A_379 = arith.index_cast %scan3A_367 : i32 to index
      %get3A_380 = arith.constant 0 : index
      %get3A_381 = tpu.vector_load %arg7[%get3A_377, %get3A_378, %get3A_379, %get3A_380] {strides = array<i32>} : memref<3x2x128x128xf32, #tpu.memory_space<vmem>>, vector<1x1x1x16xf32>,
      %get3A_382 = vector.shape_cast %get3A_381 : vector<1x1x1x16xf32> to vector<16xf32>
      %add3A_383 = arith.addf %get3A_374, %get3A_382 : vector<16xf32>
      %swap3A = arith.constant 1 : i32
      %swap3A_384 = arith.constant 0 : i32
      %swap3A_385 = arith.index_cast %swap3A : i32 to index
      %swap3A_386 = arith.index_cast %swap3A_384 : i32 to index
      %swap3A_387 = arith.index_cast %scan3A_367 : i32 to index
      %swap3A_388 = arith.constant 0 : index
      %swap3A_389 = tpu.vector_load %arg7[%swap3A_385, %swap3A_386, %swap3A_387, %swap3A_388] {strides = array<i32>} : memref<3x2x128x128xf32, #tpu.memory_space<vmem>>, vector<1x1x1x16xf32>,
      %swap3A_390 = vector.shape_cast %swap3A_389 : vector<1x1x1x16xf32> to vector<16xf32>
      %swap3A_391 = vector.shape_cast %add3A_383 : vector<16xf32> to vector<1x1x1x16xf32>
      tpu.vector_store %arg7[%swap3A_385, %swap3A_386, %swap3A_387, %swap3A_388], %swap3A_391 {strides = array<i32>} : memref<3x2x128x128xf32, #tpu.memory_space<vmem>>, vector<1x1x1x16xf32>,
      %get3A_392 = arith.constant 1 : i32
      %get3A_393 = arith.constant 0 : i32
      %get3A_394 = arith.index_cast %get3A_392 : i32 to index
      %get3A_395 = arith.index_cast %get3A_393 : i32 to index
      %get3A_396 = arith.index_cast %scan3A_367 : i32 to index
      %get3A_397 = arith.constant 16 : index
      %get3A_398 = tpu.vector_load %arg7[%get3A_394, %get3A_395, %get3A_396, %get3A_397] {strides = array<i32>} : memref<3x2x128x128xf32, #tpu.memory_space<vmem>>, vector<1x1x1x16xf32>,
      %get3A_399 = vector.shape_cast %get3A_398 : vector<1x1x1x16xf32> to vector<16xf32>
      %get3A_400 = arith.constant 1 : i32
      %get3A_401 = arith.constant 1 : i32
      %get3A_402 = arith.index_cast %get3A_400 : i32 to index
      %get3A_403 = arith.index_cast %get3A_401 : i32 to index
      %get3A_404 = arith.index_cast %scan3A_367 : i32 to index
      %get3A_405 = arith.constant 16 : index
      %get3A_406 = tpu.vector_load %arg7[%get3A_402, %get3A_403, %get3A_404, %get3A_405] {strides = array<i32>} : memref<3x2x128x128xf32, #tpu.memory_space<vmem>>, vector<1x1x1x16xf32>,
      %get3A_407 = vector.shape_cast %get3A_406 : vector<1x1x1x16xf32> to vector<16xf32>
      %add3A_408 = arith.addf %get3A_399, %get3A_407 : vector<16xf32>
      %swap3A_409 = arith.constant 1 : i32
      %swap3A_410 = arith.constant 0 : i32
      %swap3A_411 = arith.index_cast %swap3A_409 : i32 to index
      %swap3A_412 = arith.index_cast %swap3A_410 : i32 to index
      %swap3A_413 = arith.index_cast %scan3A_367 : i32 to index
      %swap3A_414 = arith.constant 16 : index
      %swap3A_415 = tpu.vector_load %arg7[%swap3A_411, %swap3A_412, %swap3A_413, %swap3A_414] {strides = array<i32>} : memref<3x2x128x128xf32, #tpu.memory_space<vmem>>, vector<1x1x1x16xf32>,
      %swap3A_416 = vector.shape_cast %swap3A_415 : vector<1x1x1x16xf32> to vector<16xf32>
      %swap3A_417 = vector.shape_cast %add3A_408 : vector<16xf32> to vector<1x1x1x16xf32>
      tpu.vector_store %arg7[%swap3A_411, %swap3A_412, %swap3A_413, %swap3A_414], %swap3A_417 {strides = array<i32>} : memref<3x2x128x128xf32, #tpu.memory_space<vmem>>, vector<1x1x1x16xf32>,
      %get3A_418 = arith.constant 1 : i32
      %get3A_419 = arith.constant 0 : i32
      %get3A_420 = arith.index_cast %get3A_418 : i32 to index
      %get3A_421 = arith.index_cast %get3A_419 : i32 to index
      %get3A_422 = arith.index_cast %scan3A_367 : i32 to index
      %get3A_423 = arith.constant 32 : index
      %get3A_424 = tpu.vector_load %arg7[%get3A_420, %get3A_421, %get3A_422, %get3A_423] {strides = array<i32>} : memref<3x2x128x128xf32, #tpu.memory_space<vmem>>, vector<1x1x1x16xf32>,
      %get3A_425 = vector.shape_cast %get3A_424 : vector<1x1x1x16xf32> to vector<16xf32>
      %get3A_426 = arith.constant 1 : i32
      %get3A_427 = arith.constant 1 : i32
      %get3A_428 = arith.index_cast %get3A_426 : i32 to index
      %get3A_429 = arith.index_cast %get3A_427 : i32 to index
      %get3A_430 = arith.index_cast %scan3A_367 : i32 to index
      %get3A_431 = arith.constant 32 : index
      %get3A_432 = tpu.vector_load %arg7[%get3A_428, %get3A_429, %get3A_430, %get3A_431] {strides = array<i32>} : memref<3x2x128x128xf32, #tpu.memory_space<vmem>>, vector<1x1x1x16xf32>,
      %get3A_433 = vector.shape_cast %get3A_432 : vector<1x1x1x16xf32> to vector<16xf32>
      %add3A_434 = arith.addf %get3A_425, %get3A_433 : vector<16xf32>
      %swap3A_435 = arith.constant 1 : i32
      %swap3A_436 = arith.constant 0 : i32
      %swap3A_437 = arith.index_cast %swap3A_435 : i32 to index
      %swap3A_438 = arith.index_cast %swap3A_436 : i32 to index
      %swap3A_439 = arith.index_cast %scan3A_367 : i32 to index
      %swap3A_440 = arith.constant 32 : index
      %swap3A_441 = tpu.vector_load %arg7[%swap3A_437, %swap3A_438, %swap3A_439, %swap3A_440] {strides = array<i32>} : memref<3x2x128x128xf32, #tpu.memory_space<vmem>>, vector<1x1x1x16xf32>,
      %swap3A_442 = vector.shape_cast %swap3A_441 : vector<1x1x1x16xf32> to vector<16xf32>
      %swap3A_443 = vector.shape_cast %add3A_434 : vector<16xf32> to vector<1x1x1x16xf32>
      tpu.vector_store %arg7[%swap3A_437, %swap3A_438, %swap3A_439, %swap3A_440], %swap3A_443 {strides = array<i32>} : memref<3x2x128x128xf32, #tpu.memory_space<vmem>>, vector<1x1x1x16xf32>,
      %get3A_444 = arith.constant 1 : i32
      %get3A_445 = arith.constant 0 : i32
      %get3A_446 = arith.index_cast %get3A_444 : i32 to index
      %get3A_447 = arith.index_cast %get3A_445 : i32 to index
      %get3A_448 = arith.index_cast %scan3A_367 : i32 to index
      %get3A_449 = arith.constant 48 : index
      %get3A_450 = tpu.vector_load %arg7[%get3A_446, %get3A_447, %get3A_448, %get3A_449] {strides = array<i32>} : memref<3x2x128x128xf32, #tpu.memory_space<vmem>>, vector<1x1x1x16xf32>,
      %get3A_451 = vector.shape_cast %get3A_450 : vector<1x1x1x16xf32> to vector<16xf32>
      %get3A_452 = arith.constant 1 : i32
      %get3A_453 = arith.constant 1 : i32
      %get3A_454 = arith.index_cast %get3A_452 : i32 to index
      %get3A_455 = arith.index_cast %get3A_453 : i32 to index
      %get3A_456 = arith.index_cast %scan3A_367 : i32 to index
      %get3A_457 = arith.constant 48 : index
      %get3A_458 = tpu.vector_load %arg7[%get3A_454, %get3A_455, %get3A_456, %get3A_457] {strides = array<i32>} : memref<3x2x128x128xf32, #tpu.memory_space<vmem>>, vector<1x1x1x16xf32>,
      %get3A_459 = vector.shape_cast %get3A_458 : vector<1x1x1x16xf32> to vector<16xf32>
      %add3A_460 = arith.addf %get3A_451, %get3A_459 : vector<16xf32>
      %swap3A_461 = arith.constant 1 : i32
      %swap3A_462 = arith.constant 0 : i32
      %swap3A_463 = arith.index_cast %swap3A_461 : i32 to index
      %swap3A_464 = arith.index_cast %swap3A_462 : i32 to index
      %swap3A_465 = arith.index_cast %scan3A_367 : i32 to index
      %swap3A_466 = arith.constant 48 : index
      %swap3A_467 = tpu.vector_load %arg7[%swap3A_463, %swap3A_464, %swap3A_465, %swap3A_466] {strides = array<i32>} : memref<3x2x128x128xf32, #tpu.memory_space<vmem>>, vector<1x1x1x16xf32>,
      %swap3A_468 = vector.shape_cast %swap3A_467 : vector<1x1x1x16xf32> to vector<16xf32>
      %swap3A_469 = vector.shape_cast %add3A_460 : vector<16xf32> to vector<1x1x1x16xf32>
      tpu.vector_store %arg7[%swap3A_463, %swap3A_464, %swap3A_465, %swap3A_466], %swap3A_469 {strides = array<i32>} : memref<3x2x128x128xf32, #tpu.memory_space<vmem>>, vector<1x1x1x16xf32>,
      %get3A_470 = arith.constant 1 : i32
      %get3A_471 = arith.constant 0 : i32
      %get3A_472 = arith.index_cast %get3A_470 : i32 to index
      %get3A_473 = arith.index_cast %get3A_471 : i32 to index
      %get3A_474 = arith.index_cast %scan3A_367 : i32 to index
      %get3A_475 = arith.constant 64 : index
      %get3A_476 = tpu.vector_load %arg7[%get3A_472, %get3A_473, %get3A_474, %get3A_475] {strides = array<i32>} : memref<3x2x128x128xf32, #tpu.memory_space<vmem>>, vector<1x1x1x16xf32>,
      %get3A_477 = vector.shape_cast %get3A_476 : vector<1x1x1x16xf32> to vector<16xf32>
      %get3A_478 = arith.constant 1 : i32
      %get3A_479 = arith.constant 1 : i32
      %get3A_480 = arith.index_cast %get3A_478 : i32 to index
      %get3A_481 = arith.index_cast %get3A_479 : i32 to index
      %get3A_482 = arith.index_cast %scan3A_367 : i32 to index
      %get3A_483 = arith.constant 64 : index
      %get3A_484 = tpu.vector_load %arg7[%get3A_480, %get3A_481, %get3A_482, %get3A_483] {strides = array<i32>} : memref<3x2x128x128xf32, #tpu.memory_space<vmem>>, vector<1x1x1x16xf32>,
      %get3A_485 = vector.shape_cast %get3A_484 : vector<1x1x1x16xf32> to vector<16xf32>
      %add3A_486 = arith.addf %get3A_477, %get3A_485 : vector<16xf32>
      %swap3A_487 = arith.constant 1 : i32
      %swap3A_488 = arith.constant 0 : i32
      %swap3A_489 = arith.index_cast %swap3A_487 : i32 to index
      %swap3A_490 = arith.index_cast %swap3A_488 : i32 to index
      %swap3A_491 = arith.index_cast %scan3A_367 : i32 to index
      %swap3A_492 = arith.constant 64 : index
      %swap3A_493 = tpu.vector_load %arg7[%swap3A_489, %swap3A_490, %swap3A_491, %swap3A_492] {strides = array<i32>} : memref<3x2x128x128xf32, #tpu.memory_space<vmem>>, vector<1x1x1x16xf32>,
      %swap3A_494 = vector.shape_cast %swap3A_493 : vector<1x1x1x16xf32> to vector<16xf32>
      %swap3A_495 = vector.shape_cast %add3A_486 : vector<16xf32> to vector<1x1x1x16xf32>
      tpu.vector_store %arg7[%swap3A_489, %swap3A_490, %swap3A_491, %swap3A_492], %swap3A_495 {strides = array<i32>} : memref<3x2x128x128xf32, #tpu.memory_space<vmem>>, vector<1x1x1x16xf32>,
      %get3A_496 = arith.constant 1 : i32
      %get3A_497 = arith.constant 0 : i32
      %get3A_498 = arith.index_cast %get3A_496 : i32 to index
      %get3A_499 = arith.index_cast %get3A_497 : i32 to index
      %get3A_500 = arith.index_cast %scan3A_367 : i32 to index
      %get3A_501 = arith.constant 80 : index
      %get3A_502 = tpu.vector_load %arg7[%get3A_498, %get3A_499, %get3A_500, %get3A_501] {strides = array<i32>} : memref<3x2x128x128xf32, #tpu.memory_space<vmem>>, vector<1x1x1x16xf32>,
      %get3A_503 = vector.shape_cast %get3A_502 : vector<1x1x1x16xf32> to vector<16xf32>
      %get3A_504 = arith.constant 1 : i32
      %get3A_505 = arith.constant 1 : i32
      %get3A_506 = arith.index_cast %get3A_504 : i32 to index
      %get3A_507 = arith.index_cast %get3A_505 : i32 to index
      %get3A_508 = arith.index_cast %scan3A_367 : i32 to index
      %get3A_509 = arith.constant 80 : index
      %get3A_510 = tpu.vector_load %arg7[%get3A_506, %get3A_507, %get3A_508, %get3A_509] {strides = array<i32>} : memref<3x2x128x128xf32, #tpu.memory_space<vmem>>, vector<1x1x1x16xf32>,
      %get3A_511 = vector.shape_cast %get3A_510 : vector<1x1x1x16xf32> to vector<16xf32>
      %add3A_512 = arith.addf %get3A_503, %get3A_511 : vector<16xf32>
      %swap3A_513 = arith.constant 1 : i32
      %swap3A_514 = arith.constant 0 : i32
      %swap3A_515 = arith.index_cast %swap3A_513 : i32 to index
      %swap3A_516 = arith.index_cast %swap3A_514 : i32 to index
      %swap3A_517 = arith.index_cast %scan3A_367 : i32 to index
      %swap3A_518 = arith.constant 80 : index
      %swap3A_519 = tpu.vector_load %arg7[%swap3A_515, %swap3A_516, %swap3A_517, %swap3A_518] {strides = array<i32>} : memref<3x2x128x128xf32, #tpu.memory_space<vmem>>, vector<1x1x1x16xf32>,
      %swap3A_520 = vector.shape_cast %swap3A_519 : vector<1x1x1x16xf32> to vector<16xf32>
      %swap3A_521 = vector.shape_cast %add3A_512 : vector<16xf32> to vector<1x1x1x16xf32>
      tpu.vector_store %arg7[%swap3A_515, %swap3A_516, %swap3A_517, %swap3A_518], %swap3A_521 {strides = array<i32>} : memref<3x2x128x128xf32, #tpu.memory_space<vmem>>, vector<1x1x1x16xf32>,
      %get3A_522 = arith.constant 1 : i32
      %get3A_523 = arith.constant 0 : i32
      %get3A_524 = arith.index_cast %get3A_522 : i32 to index
      %get3A_525 = arith.index_cast %get3A_523 : i32 to index
      %get3A_526 = arith.index_cast %scan3A_367 : i32 to index
      %get3A_527 = arith.constant 96 : index
      %get3A_528 = tpu.vector_load %arg7[%get3A_524, %get3A_525, %get3A_526, %get3A_527] {strides = array<i32>} : memref<3x2x128x128xf32, #tpu.memory_space<vmem>>, vector<1x1x1x16xf32>,
      %get3A_529 = vector.shape_cast %get3A_528 : vector<1x1x1x16xf32> to vector<16xf32>
      %get3A_530 = arith.constant 1 : i32
      %get3A_531 = arith.constant 1 : i32
      %get3A_532 = arith.index_cast %get3A_530 : i32 to index
      %get3A_533 = arith.index_cast %get3A_531 : i32 to index
      %get3A_534 = arith.index_cast %scan3A_367 : i32 to index
      %get3A_535 = arith.constant 96 : index
      %get3A_536 = tpu.vector_load %arg7[%get3A_532, %get3A_533, %get3A_534, %get3A_535] {strides = array<i32>} : memref<3x2x128x128xf32, #tpu.memory_space<vmem>>, vector<1x1x1x16xf32>,
      %get3A_537 = vector.shape_cast %get3A_536 : vector<1x1x1x16xf32> to vector<16xf32>
      %add3A_538 = arith.addf %get3A_529, %get3A_537 : vector<16xf32>
      %swap3A_539 = arith.constant 1 : i32
      %swap3A_540 = arith.constant 0 : i32
      %swap3A_541 = arith.index_cast %swap3A_539 : i32 to index
      %swap3A_542 = arith.index_cast %swap3A_540 : i32 to index
      %swap3A_543 = arith.index_cast %scan3A_367 : i32 to index
      %swap3A_544 = arith.constant 96 : index
      %swap3A_545 = tpu.vector_load %arg7[%swap3A_541, %swap3A_542, %swap3A_543, %swap3A_544] {strides = array<i32>} : memref<3x2x128x128xf32, #tpu.memory_space<vmem>>, vector<1x1x1x16xf32>,
      %swap3A_546 = vector.shape_cast %swap3A_545 : vector<1x1x1x16xf32> to vector<16xf32>
      %swap3A_547 = vector.shape_cast %add3A_538 : vector<16xf32> to vector<1x1x1x16xf32>
      tpu.vector_store %arg7[%swap3A_541, %swap3A_542, %swap3A_543, %swap3A_544], %swap3A_547 {strides = array<i32>} : memref<3x2x128x128xf32, #tpu.memory_space<vmem>>, vector<1x1x1x16xf32>,
      %get3A_548 = arith.constant 1 : i32
      %get3A_549 = arith.constant 0 : i32
      %get3A_550 = arith.index_cast %get3A_548 : i32 to index
      %get3A_551 = arith.index_cast %get3A_549 : i32 to index
      %get3A_552 = arith.index_cast %scan3A_367 : i32 to index
      %get3A_553 = arith.constant 112 : index
      %get3A_554 = tpu.vector_load %arg7[%get3A_550, %get3A_551, %get3A_552, %get3A_553] {strides = array<i32>} : memref<3x2x128x128xf32, #tpu.memory_space<vmem>>, vector<1x1x1x16xf32>,
      %get3A_555 = vector.shape_cast %get3A_554 : vector<1x1x1x16xf32> to vector<16xf32>
      %get3A_556 = arith.constant 1 : i32
      %get3A_557 = arith.constant 1 : i32
      %get3A_558 = arith.index_cast %get3A_556 : i32 to index
      %get3A_559 = arith.index_cast %get3A_557 : i32 to index
      %get3A_560 = arith.index_cast %scan3A_367 : i32 to index
      %get3A_561 = arith.constant 112 : index
      %get3A_562 = tpu.vector_load %arg7[%get3A_558, %get3A_559, %get3A_560, %get3A_561] {strides = array<i32>} : memref<3x2x128x128xf32, #tpu.memory_space<vmem>>, vector<1x1x1x16xf32>,
      %get3A_563 = vector.shape_cast %get3A_562 : vector<1x1x1x16xf32> to vector<16xf32>
      %add3A_564 = arith.addf %get3A_555, %get3A_563 : vector<16xf32>
      %swap3A_565 = arith.constant 1 : i32
      %swap3A_566 = arith.constant 0 : i32
      %swap3A_567 = arith.index_cast %swap3A_565 : i32 to index
      %swap3A_568 = arith.index_cast %swap3A_566 : i32 to index
      %swap3A_569 = arith.index_cast %scan3A_367 : i32 to index
      %swap3A_570 = arith.constant 112 : index
      %swap3A_571 = tpu.vector_load %arg7[%swap3A_567, %swap3A_568, %swap3A_569, %swap3A_570] {strides = array<i32>} : memref<3x2x128x128xf32, #tpu.memory_space<vmem>>, vector<1x1x1x16xf32>,
      %swap3A_572 = vector.shape_cast %swap3A_571 : vector<1x1x1x16xf32> to vector<16xf32>
      %swap3A_573 = vector.shape_cast %add3A_564 : vector<16xf32> to vector<1x1x1x16xf32>
      tpu.vector_store %arg7[%swap3A_567, %swap3A_568, %swap3A_569, %swap3A_570], %swap3A_573 {strides = array<i32>} : memref<3x2x128x128xf32, #tpu.memory_space<vmem>>, vector<1x1x1x16xf32>,
    }
    %scan3A_206 = arith.constant 128 : i32
    %mul3A_207 = arith.constant 512 : i32
    %mul3A_208 = arith.muli %add3A, %mul3A_207 : i32
    %add3A_209 = arith.constant 128 : i32
    %add3A_210 = arith.addi %mul3A_208, %add3A_209 : i32
    %dma_start3A_211 = arith.constant 1 : i32
    %dma_start3A_212 = arith.constant 0 : i32
    %dma_start3A_213 = arith.constant 0 : i32
    %dma_start3A_214 = arith.constant 0 : i32
    %dma_start3A_215 = tpu.memref_slice %arg7[%dma_start3A_211, %dma_start3A_212, %dma_start3A_213, %dma_start3A_214] : memref<3x2x128x128xf32, #tpu.memory_space<vmem>> -> memref<1x1x128x128xf32, #tpu.memory_space<vmem>>
    %dma_start3A_216 = tpu.memref_squeeze %dma_start3A_215 : memref<1x1x128x128xf32, #tpu.memory_space<vmem>> -> memref<128x128xf32, #tpu.memory_space<vmem>>
    %dma_start3A_217 = arith.constant 0 : i32
    %dma_start3A_218 = tpu.memref_slice %arg5[%add3A_210, %dma_start3A_217] : memref<16384x128xf32, #tpu.memory_space<hbm>> -> memref<128x128xf32, #tpu.memory_space<hbm>>
    %dma_start3A_219 = arith.constant 0 : i32
    %dma_start3A_220 = tpu.memref_slice %arg5[%add3A_210, %dma_start3A_219] : memref<16384x128xf32, #tpu.memory_space<hbm>> -> memref<128x128xf32, #tpu.memory_space<hbm>>
    %dma_start3A_221 = arith.constant 0 : i32
    %dma_start3A_222 = arith.constant 0 : i32
    %dma_start3A_223 = tpu.memref_slice %arg7[%dma_start3A_211, %dma_start3A_212, %dma_start3A_221, %dma_start3A_222] : memref<3x2x128x128xf32, #tpu.memory_space<vmem>> -> memref<1x1x128x128xf32, #tpu.memory_space<vmem>>
    %dma_start3A_224 = tpu.memref_squeeze %dma_start3A_223 : memref<1x1x128x128xf32, #tpu.memory_space<vmem>> -> memref<128x128xf32, #tpu.memory_space<vmem>>
    tpu.enqueue_dma source(%dma_start3A_224 : memref<128x128xf32, #tpu.memory_space<vmem>>) target(%dma_start3A_220 : memref<128x128xf32, #tpu.memory_space<hbm>>) target_semaphore(%arg11 : memref<!tpu.dma_semaphore, #tpu.memory_space<semaphore_mem>>)
    %dma_wait3A_225 = arith.constant 0 : i32
    %dma_wait3A_226 = arith.constant 2 : i32
    %dma_wait3A_227 = arith.constant 0 : i32
    %dma_wait3A_228 = arith.constant 0 : i32
    %dma_wait3A_229 = arith.constant 0 : i32
    %dma_wait3A_230 = tpu.memref_slice %arg7[%dma_wait3A_226, %dma_wait3A_227, %dma_wait3A_228, %dma_wait3A_229] : memref<3x2x128x128xf32, #tpu.memory_space<vmem>> -> memref<1x1x128x128xf32, #tpu.memory_space<vmem>>
    %dma_wait3A_231 = tpu.memref_squeeze %dma_wait3A_230 : memref<1x1x128x128xf32, #tpu.memory_space<vmem>> -> memref<128x128xf32, #tpu.memory_space<vmem>>
    %dma_wait3A_232 = arith.constant 256 : i32
    %dma_wait3A_233 = tpu.memref_slice %arg6[%dma_wait3A_225, %dma_wait3A_232] : memref<2x512xi32, #tpu.memory_space<vmem>> -> memref<1x128xi32, #tpu.memory_space<vmem>>
    %dma_wait3A_234 = tpu.memref_squeeze %dma_wait3A_233 : memref<1x128xi32, #tpu.memory_space<vmem>> -> memref<128xi32, #tpu.memory_space<vmem>>
    %dma_wait3A_235 = arith.constant 0 : i32
    %dma_wait3A_236 = arith.constant 0 : i32
    %dma_wait3A_237 = tpu.memref_slice %arg2[%dma_wait3A_235, %dma_wait3A_236] : memref<3597x128xf32, #tpu.memory_space<hbm>> -> memref<3597x128xf32, #tpu.memory_space<hbm>>
    tpu.wait_indirect_dma semaphore(%arg10 : memref<!tpu.dma_semaphore, #tpu.memory_space<semaphore_mem>>) src(%dma_wait3A_237 : memref<3597x128xf32, #tpu.memory_space<hbm>>) dst(%dma_wait3A_231 : memref<128x128xf32, #tpu.memory_space<vmem>>)
    %dma_wait3A_238 = arith.constant 1 : i32
    %dma_wait3A_239 = arith.constant 2 : i32
    %dma_wait3A_240 = arith.constant 1 : i32
    %dma_wait3A_241 = arith.constant 0 : i32
    %dma_wait3A_242 = arith.constant 0 : i32
    %dma_wait3A_243 = tpu.memref_slice %arg7[%dma_wait3A_239, %dma_wait3A_240, %dma_wait3A_241, %dma_wait3A_242] : memref<3x2x128x128xf32, #tpu.memory_space<vmem>> -> memref<1x1x128x128xf32, #tpu.memory_space<vmem>>
    %dma_wait3A_244 = tpu.memref_squeeze %dma_wait3A_243 : memref<1x1x128x128xf32, #tpu.memory_space<vmem>> -> memref<128x128xf32, #tpu.memory_space<vmem>>
    %dma_wait3A_245 = arith.constant 256 : i32
    %dma_wait3A_246 = tpu.memref_slice %arg6[%dma_wait3A_238, %dma_wait3A_245] : memref<2x512xi32, #tpu.memory_space<vmem>> -> memref<1x128xi32, #tpu.memory_space<vmem>>
    %dma_wait3A_247 = tpu.memref_squeeze %dma_wait3A_246 : memref<1x128xi32, #tpu.memory_space<vmem>> -> memref<128xi32, #tpu.memory_space<vmem>>
    %dma_wait3A_248 = arith.constant 0 : i32
    %dma_wait3A_249 = arith.constant 0 : i32
    %dma_wait3A_250 = tpu.memref_slice %arg3[%dma_wait3A_248, %dma_wait3A_249] : memref<563x128xf32, #tpu.memory_space<hbm>> -> memref<563x128xf32, #tpu.memory_space<hbm>>
    tpu.wait_indirect_dma semaphore(%arg10 : memref<!tpu.dma_semaphore, #tpu.memory_space<semaphore_mem>>) src(%dma_wait3A_250 : memref<563x128xf32, #tpu.memory_space<hbm>>) dst(%dma_wait3A_244 : memref<128x128xf32, #tpu.memory_space<vmem>>)
    %scan3A_251 = arith.constant 0 : i32
    %scan3A_252 = arith.constant 0 : i32
    %scan3A_253 = arith.constant 128 : i32
    %scan3A_254 = arith.addi %scan3A_252, %scan3A_253 : i32
    %scan3A_255 = arith.constant 1 : i32
    scf.for %scan3A_367 = %scan3A_252 to %scan3A_254 step %scan3A_255  : i32 {
      %get3A = arith.constant 2 : i32
      %get3A_368 = arith.constant 0 : i32
      %get3A_369 = arith.index_cast %get3A : i32 to index
      %get3A_370 = arith.index_cast %get3A_368 : i32 to index
      %get3A_371 = arith.index_cast %scan3A_367 : i32 to index
      %get3A_372 = arith.constant 0 : index
      %get3A_373 = tpu.vector_load %arg7[%get3A_369, %get3A_370, %get3A_371, %get3A_372] {strides = array<i32>} : memref<3x2x128x128xf32, #tpu.memory_space<vmem>>, vector<1x1x1x16xf32>,
      %get3A_374 = vector.shape_cast %get3A_373 : vector<1x1x1x16xf32> to vector<16xf32>
      %get3A_375 = arith.constant 2 : i32
      %get3A_376 = arith.constant 1 : i32
      %get3A_377 = arith.index_cast %get3A_375 : i32 to index
      %get3A_378 = arith.index_cast %get3A_376 : i32 to index
      %get3A_379 = arith.index_cast %scan3A_367 : i32 to index
      %get3A_380 = arith.constant 0 : index
      %get3A_381 = tpu.vector_load %arg7[%get3A_377, %get3A_378, %get3A_379, %get3A_380] {strides = array<i32>} : memref<3x2x128x128xf32, #tpu.memory_space<vmem>>, vector<1x1x1x16xf32>,
      %get3A_382 = vector.shape_cast %get3A_381 : vector<1x1x1x16xf32> to vector<16xf32>
      %add3A_383 = arith.addf %get3A_374, %get3A_382 : vector<16xf32>
      %swap3A = arith.constant 2 : i32
      %swap3A_384 = arith.constant 0 : i32
      %swap3A_385 = arith.index_cast %swap3A : i32 to index
      %swap3A_386 = arith.index_cast %swap3A_384 : i32 to index
      %swap3A_387 = arith.index_cast %scan3A_367 : i32 to index
      %swap3A_388 = arith.constant 0 : index
      %swap3A_389 = tpu.vector_load %arg7[%swap3A_385, %swap3A_386, %swap3A_387, %swap3A_388] {strides = array<i32>} : memref<3x2x128x128xf32, #tpu.memory_space<vmem>>, vector<1x1x1x16xf32>,
      %swap3A_390 = vector.shape_cast %swap3A_389 : vector<1x1x1x16xf32> to vector<16xf32>
      %swap3A_391 = vector.shape_cast %add3A_383 : vector<16xf32> to vector<1x1x1x16xf32>
      tpu.vector_store %arg7[%swap3A_385, %swap3A_386, %swap3A_387, %swap3A_388], %swap3A_391 {strides = array<i32>} : memref<3x2x128x128xf32, #tpu.memory_space<vmem>>, vector<1x1x1x16xf32>,
      %get3A_392 = arith.constant 2 : i32
      %get3A_393 = arith.constant 0 : i32
      %get3A_394 = arith.index_cast %get3A_392 : i32 to index
      %get3A_395 = arith.index_cast %get3A_393 : i32 to index
      %get3A_396 = arith.index_cast %scan3A_367 : i32 to index
      %get3A_397 = arith.constant 16 : index
      %get3A_398 = tpu.vector_load %arg7[%get3A_394, %get3A_395, %get3A_396, %get3A_397] {strides = array<i32>} : memref<3x2x128x128xf32, #tpu.memory_space<vmem>>, vector<1x1x1x16xf32>,
      %get3A_399 = vector.shape_cast %get3A_398 : vector<1x1x1x16xf32> to vector<16xf32>
      %get3A_400 = arith.constant 2 : i32
      %get3A_401 = arith.constant 1 : i32
      %get3A_402 = arith.index_cast %get3A_400 : i32 to index
      %get3A_403 = arith.index_cast %get3A_401 : i32 to index
      %get3A_404 = arith.index_cast %scan3A_367 : i32 to index
      %get3A_405 = arith.constant 16 : index
      %get3A_406 = tpu.vector_load %arg7[%get3A_402, %get3A_403, %get3A_404, %get3A_405] {strides = array<i32>} : memref<3x2x128x128xf32, #tpu.memory_space<vmem>>, vector<1x1x1x16xf32>,
      %get3A_407 = vector.shape_cast %get3A_406 : vector<1x1x1x16xf32> to vector<16xf32>
      %add3A_408 = arith.addf %get3A_399, %get3A_407 : vector<16xf32>
      %swap3A_409 = arith.constant 2 : i32
      %swap3A_410 = arith.constant 0 : i32
      %swap3A_411 = arith.index_cast %swap3A_409 : i32 to index
      %swap3A_412 = arith.index_cast %swap3A_410 : i32 to index
      %swap3A_413 = arith.index_cast %scan3A_367 : i32 to index
      %swap3A_414 = arith.constant 16 : index
      %swap3A_415 = tpu.vector_load %arg7[%swap3A_411, %swap3A_412, %swap3A_413, %swap3A_414] {strides = array<i32>} : memref<3x2x128x128xf32, #tpu.memory_space<vmem>>, vector<1x1x1x16xf32>,
      %swap3A_416 = vector.shape_cast %swap3A_415 : vector<1x1x1x16xf32> to vector<16xf32>
      %swap3A_417 = vector.shape_cast %add3A_408 : vector<16xf32> to vector<1x1x1x16xf32>
      tpu.vector_store %arg7[%swap3A_411, %swap3A_412, %swap3A_413, %swap3A_414], %swap3A_417 {strides = array<i32>} : memref<3x2x128x128xf32, #tpu.memory_space<vmem>>, vector<1x1x1x16xf32>,
      %get3A_418 = arith.constant 2 : i32
      %get3A_419 = arith.constant 0 : i32
      %get3A_420 = arith.index_cast %get3A_418 : i32 to index
      %get3A_421 = arith.index_cast %get3A_419 : i32 to index
      %get3A_422 = arith.index_cast %scan3A_367 : i32 to index
      %get3A_423 = arith.constant 32 : index
      %get3A_424 = tpu.vector_load %arg7[%get3A_420, %get3A_421, %get3A_422, %get3A_423] {strides = array<i32>} : memref<3x2x128x128xf32, #tpu.memory_space<vmem>>, vector<1x1x1x16xf32>,
      %get3A_425 = vector.shape_cast %get3A_424 : vector<1x1x1x16xf32> to vector<16xf32>
      %get3A_426 = arith.constant 2 : i32
      %get3A_427 = arith.constant 1 : i32
      %get3A_428 = arith.index_cast %get3A_426 : i32 to index
      %get3A_429 = arith.index_cast %get3A_427 : i32 to index
      %get3A_430 = arith.index_cast %scan3A_367 : i32 to index
      %get3A_431 = arith.constant 32 : index
      %get3A_432 = tpu.vector_load %arg7[%get3A_428, %get3A_429, %get3A_430, %get3A_431] {strides = array<i32>} : memref<3x2x128x128xf32, #tpu.memory_space<vmem>>, vector<1x1x1x16xf32>,
      %get3A_433 = vector.shape_cast %get3A_432 : vector<1x1x1x16xf32> to vector<16xf32>
      %add3A_434 = arith.addf %get3A_425, %get3A_433 : vector<16xf32>
      %swap3A_435 = arith.constant 2 : i32
      %swap3A_436 = arith.constant 0 : i32
      %swap3A_437 = arith.index_cast %swap3A_435 : i32 to index
      %swap3A_438 = arith.index_cast %swap3A_436 : i32 to index
      %swap3A_439 = arith.index_cast %scan3A_367 : i32 to index
      %swap3A_440 = arith.constant 32 : index
      %swap3A_441 = tpu.vector_load %arg7[%swap3A_437, %swap3A_438, %swap3A_439, %swap3A_440] {strides = array<i32>} : memref<3x2x128x128xf32, #tpu.memory_space<vmem>>, vector<1x1x1x16xf32>,
      %swap3A_442 = vector.shape_cast %swap3A_441 : vector<1x1x1x16xf32> to vector<16xf32>
      %swap3A_443 = vector.shape_cast %add3A_434 : vector<16xf32> to vector<1x1x1x16xf32>
      tpu.vector_store %arg7[%swap3A_437, %swap3A_438, %swap3A_439, %swap3A_440], %swap3A_443 {strides = array<i32>} : memref<3x2x128x128xf32, #tpu.memory_space<vmem>>, vector<1x1x1x16xf32>,
      %get3A_444 = arith.constant 2 : i32
      %get3A_445 = arith.constant 0 : i32
      %get3A_446 = arith.index_cast %get3A_444 : i32 to index
      %get3A_447 = arith.index_cast %get3A_445 : i32 to index
      %get3A_448 = arith.index_cast %scan3A_367 : i32 to index
      %get3A_449 = arith.constant 48 : index
      %get3A_450 = tpu.vector_load %arg7[%get3A_446, %get3A_447, %get3A_448, %get3A_449] {strides = array<i32>} : memref<3x2x128x128xf32, #tpu.memory_space<vmem>>, vector<1x1x1x16xf32>,
      %get3A_451 = vector.shape_cast %get3A_450 : vector<1x1x1x16xf32> to vector<16xf32>
      %get3A_452 = arith.constant 2 : i32
      %get3A_453 = arith.constant 1 : i32
      %get3A_454 = arith.index_cast %get3A_452 : i32 to index
      %get3A_455 = arith.index_cast %get3A_453 : i32 to index
      %get3A_456 = arith.index_cast %scan3A_367 : i32 to index
      %get3A_457 = arith.constant 48 : index
      %get3A_458 = tpu.vector_load %arg7[%get3A_454, %get3A_455, %get3A_456, %get3A_457] {strides = array<i32>} : memref<3x2x128x128xf32, #tpu.memory_space<vmem>>, vector<1x1x1x16xf32>,
      %get3A_459 = vector.shape_cast %get3A_458 : vector<1x1x1x16xf32> to vector<16xf32>
      %add3A_460 = arith.addf %get3A_451, %get3A_459 : vector<16xf32>
      %swap3A_461 = arith.constant 2 : i32
      %swap3A_462 = arith.constant 0 : i32
      %swap3A_463 = arith.index_cast %swap3A_461 : i32 to index
      %swap3A_464 = arith.index_cast %swap3A_462 : i32 to index
      %swap3A_465 = arith.index_cast %scan3A_367 : i32 to index
      %swap3A_466 = arith.constant 48 : index
      %swap3A_467 = tpu.vector_load %arg7[%swap3A_463, %swap3A_464, %swap3A_465, %swap3A_466] {strides = array<i32>} : memref<3x2x128x128xf32, #tpu.memory_space<vmem>>, vector<1x1x1x16xf32>,
      %swap3A_468 = vector.shape_cast %swap3A_467 : vector<1x1x1x16xf32> to vector<16xf32>
      %swap3A_469 = vector.shape_cast %add3A_460 : vector<16xf32> to vector<1x1x1x16xf32>
      tpu.vector_store %arg7[%swap3A_463, %swap3A_464, %swap3A_465, %swap3A_466], %swap3A_469 {strides = array<i32>} : memref<3x2x128x128xf32, #tpu.memory_space<vmem>>, vector<1x1x1x16xf32>,
      %get3A_470 = arith.constant 2 : i32
      %get3A_471 = arith.constant 0 : i32
      %get3A_472 = arith.index_cast %get3A_470 : i32 to index
      %get3A_473 = arith.index_cast %get3A_471 : i32 to index
      %get3A_474 = arith.index_cast %scan3A_367 : i32 to index
      %get3A_475 = arith.constant 64 : index
      %get3A_476 = tpu.vector_load %arg7[%get3A_472, %get3A_473, %get3A_474, %get3A_475] {strides = array<i32>} : memref<3x2x128x128xf32, #tpu.memory_space<vmem>>, vector<1x1x1x16xf32>,
      %get3A_477 = vector.shape_cast %get3A_476 : vector<1x1x1x16xf32> to vector<16xf32>
      %get3A_478 = arith.constant 2 : i32
      %get3A_479 = arith.constant 1 : i32
      %get3A_480 = arith.index_cast %get3A_478 : i32 to index
      %get3A_481 = arith.index_cast %get3A_479 : i32 to index
      %get3A_482 = arith.index_cast %scan3A_367 : i32 to index
      %get3A_483 = arith.constant 64 : index
      %get3A_484 = tpu.vector_load %arg7[%get3A_480, %get3A_481, %get3A_482, %get3A_483] {strides = array<i32>} : memref<3x2x128x128xf32, #tpu.memory_space<vmem>>, vector<1x1x1x16xf32>,
      %get3A_485 = vector.shape_cast %get3A_484 : vector<1x1x1x16xf32> to vector<16xf32>
      %add3A_486 = arith.addf %get3A_477, %get3A_485 : vector<16xf32>
      %swap3A_487 = arith.constant 2 : i32
      %swap3A_488 = arith.constant 0 : i32
      %swap3A_489 = arith.index_cast %swap3A_487 : i32 to index
      %swap3A_490 = arith.index_cast %swap3A_488 : i32 to index
      %swap3A_491 = arith.index_cast %scan3A_367 : i32 to index
      %swap3A_492 = arith.constant 64 : index
      %swap3A_493 = tpu.vector_load %arg7[%swap3A_489, %swap3A_490, %swap3A_491, %swap3A_492] {strides = array<i32>} : memref<3x2x128x128xf32, #tpu.memory_space<vmem>>, vector<1x1x1x16xf32>,
      %swap3A_494 = vector.shape_cast %swap3A_493 : vector<1x1x1x16xf32> to vector<16xf32>
      %swap3A_495 = vector.shape_cast %add3A_486 : vector<16xf32> to vector<1x1x1x16xf32>
      tpu.vector_store %arg7[%swap3A_489, %swap3A_490, %swap3A_491, %swap3A_492], %swap3A_495 {strides = array<i32>} : memref<3x2x128x128xf32, #tpu.memory_space<vmem>>, vector<1x1x1x16xf32>,
      %get3A_496 = arith.constant 2 : i32
      %get3A_497 = arith.constant 0 : i32
      %get3A_498 = arith.index_cast %get3A_496 : i32 to index
      %get3A_499 = arith.index_cast %get3A_497 : i32 to index
      %get3A_500 = arith.index_cast %scan3A_367 : i32 to index
      %get3A_501 = arith.constant 80 : index
      %get3A_502 = tpu.vector_load %arg7[%get3A_498, %get3A_499, %get3A_500, %get3A_501] {strides = array<i32>} : memref<3x2x128x128xf32, #tpu.memory_space<vmem>>, vector<1x1x1x16xf32>,
      %get3A_503 = vector.shape_cast %get3A_502 : vector<1x1x1x16xf32> to vector<16xf32>
      %get3A_504 = arith.constant 2 : i32
      %get3A_505 = arith.constant 1 : i32
      %get3A_506 = arith.index_cast %get3A_504 : i32 to index
      %get3A_507 = arith.index_cast %get3A_505 : i32 to index
      %get3A_508 = arith.index_cast %scan3A_367 : i32 to index
      %get3A_509 = arith.constant 80 : index
      %get3A_510 = tpu.vector_load %arg7[%get3A_506, %get3A_507, %get3A_508, %get3A_509] {strides = array<i32>} : memref<3x2x128x128xf32, #tpu.memory_space<vmem>>, vector<1x1x1x16xf32>,
      %get3A_511 = vector.shape_cast %get3A_510 : vector<1x1x1x16xf32> to vector<16xf32>
      %add3A_512 = arith.addf %get3A_503, %get3A_511 : vector<16xf32>
      %swap3A_513 = arith.constant 2 : i32
      %swap3A_514 = arith.constant 0 : i32
      %swap3A_515 = arith.index_cast %swap3A_513 : i32 to index
      %swap3A_516 = arith.index_cast %swap3A_514 : i32 to index
      %swap3A_517 = arith.index_cast %scan3A_367 : i32 to index
      %swap3A_518 = arith.constant 80 : index
      %swap3A_519 = tpu.vector_load %arg7[%swap3A_515, %swap3A_516, %swap3A_517, %swap3A_518] {strides = array<i32>} : memref<3x2x128x128xf32, #tpu.memory_space<vmem>>, vector<1x1x1x16xf32>,
      %swap3A_520 = vector.shape_cast %swap3A_519 : vector<1x1x1x16xf32> to vector<16xf32>
      %swap3A_521 = vector.shape_cast %add3A_512 : vector<16xf32> to vector<1x1x1x16xf32>
      tpu.vector_store %arg7[%swap3A_515, %swap3A_516, %swap3A_517, %swap3A_518], %swap3A_521 {strides = array<i32>} : memref<3x2x128x128xf32, #tpu.memory_space<vmem>>, vector<1x1x1x16xf32>,
      %get3A_522 = arith.constant 2 : i32
      %get3A_523 = arith.constant 0 : i32
      %get3A_524 = arith.index_cast %get3A_522 : i32 to index
      %get3A_525 = arith.index_cast %get3A_523 : i32 to index
      %get3A_526 = arith.index_cast %scan3A_367 : i32 to index
      %get3A_527 = arith.constant 96 : index
      %get3A_528 = tpu.vector_load %arg7[%get3A_524, %get3A_525, %get3A_526, %get3A_527] {strides = array<i32>} : memref<3x2x128x128xf32, #tpu.memory_space<vmem>>, vector<1x1x1x16xf32>,
      %get3A_529 = vector.shape_cast %get3A_528 : vector<1x1x1x16xf32> to vector<16xf32>
      %get3A_530 = arith.constant 2 : i32
      %get3A_531 = arith.constant 1 : i32
      %get3A_532 = arith.index_cast %get3A_530 : i32 to index
      %get3A_533 = arith.index_cast %get3A_531 : i32 to index
      %get3A_534 = arith.index_cast %scan3A_367 : i32 to index
      %get3A_535 = arith.constant 96 : index
      %get3A_536 = tpu.vector_load %arg7[%get3A_532, %get3A_533, %get3A_534, %get3A_535] {strides = array<i32>} : memref<3x2x128x128xf32, #tpu.memory_space<vmem>>, vector<1x1x1x16xf32>,
      %get3A_537 = vector.shape_cast %get3A_536 : vector<1x1x1x16xf32> to vector<16xf32>
      %add3A_538 = arith.addf %get3A_529, %get3A_537 : vector<16xf32>
      %swap3A_539 = arith.constant 2 : i32
      %swap3A_540 = arith.constant 0 : i32
      %swap3A_541 = arith.index_cast %swap3A_539 : i32 to index
      %swap3A_542 = arith.index_cast %swap3A_540 : i32 to index
      %swap3A_543 = arith.index_cast %scan3A_367 : i32 to index
      %swap3A_544 = arith.constant 96 : index
      %swap3A_545 = tpu.vector_load %arg7[%swap3A_541, %swap3A_542, %swap3A_543, %swap3A_544] {strides = array<i32>} : memref<3x2x128x128xf32, #tpu.memory_space<vmem>>, vector<1x1x1x16xf32>,
      %swap3A_546 = vector.shape_cast %swap3A_545 : vector<1x1x1x16xf32> to vector<16xf32>
      %swap3A_547 = vector.shape_cast %add3A_538 : vector<16xf32> to vector<1x1x1x16xf32>
      tpu.vector_store %arg7[%swap3A_541, %swap3A_542, %swap3A_543, %swap3A_544], %swap3A_547 {strides = array<i32>} : memref<3x2x128x128xf32, #tpu.memory_space<vmem>>, vector<1x1x1x16xf32>,
      %get3A_548 = arith.constant 2 : i32
      %get3A_549 = arith.constant 0 : i32
      %get3A_550 = arith.index_cast %get3A_548 : i32 to index
      %get3A_551 = arith.index_cast %get3A_549 : i32 to index
      %get3A_552 = arith.index_cast %scan3A_367 : i32 to index
      %get3A_553 = arith.constant 112 : index
      %get3A_554 = tpu.vector_load %arg7[%get3A_550, %get3A_551, %get3A_552, %get3A_553] {strides = array<i32>} : memref<3x2x128x128xf32, #tpu.memory_space<vmem>>, vector<1x1x1x16xf32>,
      %get3A_555 = vector.shape_cast %get3A_554 : vector<1x1x1x16xf32> to vector<16xf32>
      %get3A_556 = arith.constant 2 : i32
      %get3A_557 = arith.constant 1 : i32
      %get3A_558 = arith.index_cast %get3A_556 : i32 to index
      %get3A_559 = arith.index_cast %get3A_557 : i32 to index
      %get3A_560 = arith.index_cast %scan3A_367 : i32 to index
      %get3A_561 = arith.constant 112 : index
      %get3A_562 = tpu.vector_load %arg7[%get3A_558, %get3A_559, %get3A_560, %get3A_561] {strides = array<i32>} : memref<3x2x128x128xf32, #tpu.memory_space<vmem>>, vector<1x1x1x16xf32>,
      %get3A_563 = vector.shape_cast %get3A_562 : vector<1x1x1x16xf32> to vector<16xf32>
      %add3A_564 = arith.addf %get3A_555, %get3A_563 : vector<16xf32>
      %swap3A_565 = arith.constant 2 : i32
      %swap3A_566 = arith.constant 0 : i32
      %swap3A_567 = arith.index_cast %swap3A_565 : i32 to index
      %swap3A_568 = arith.index_cast %swap3A_566 : i32 to index
      %swap3A_569 = arith.index_cast %scan3A_367 : i32 to index
      %swap3A_570 = arith.constant 112 : index
      %swap3A_571 = tpu.vector_load %arg7[%swap3A_567, %swap3A_568, %swap3A_569, %swap3A_570] {strides = array<i32>} : memref<3x2x128x128xf32, #tpu.memory_space<vmem>>, vector<1x1x1x16xf32>,
      %swap3A_572 = vector.shape_cast %swap3A_571 : vector<1x1x1x16xf32> to vector<16xf32>
      %swap3A_573 = vector.shape_cast %add3A_564 : vector<16xf32> to vector<1x1x1x16xf32>
      tpu.vector_store %arg7[%swap3A_567, %swap3A_568, %swap3A_569, %swap3A_570], %swap3A_573 {strides = array<i32>} : memref<3x2x128x128xf32, #tpu.memory_space<vmem>>, vector<1x1x1x16xf32>,
    }
    %scan3A_256 = arith.constant 128 : i32
    %mul3A_257 = arith.constant 512 : i32
    %mul3A_258 = arith.muli %add3A, %mul3A_257 : i32
    %add3A_259 = arith.constant 256 : i32
    %add3A_260 = arith.addi %mul3A_258, %add3A_259 : i32
    %dma_start3A_261 = arith.constant 2 : i32
    %dma_start3A_262 = arith.constant 0 : i32
    %dma_start3A_263 = arith.constant 0 : i32
    %dma_start3A_264 = arith.constant 0 : i32
    %dma_start3A_265 = tpu.memref_slice %arg7[%dma_start3A_261, %dma_start3A_262, %dma_start3A_263, %dma_start3A_264] : memref<3x2x128x128xf32, #tpu.memory_space<vmem>> -> memref<1x1x128x128xf32, #tpu.memory_space<vmem>>
    %dma_start3A_266 = tpu.memref_squeeze %dma_start3A_265 : memref<1x1x128x128xf32, #tpu.memory_space<vmem>> -> memref<128x128xf32, #tpu.memory_space<vmem>>
    %dma_start3A_267 = arith.constant 0 : i32
    %dma_start3A_268 = tpu.memref_slice %arg5[%add3A_260, %dma_start3A_267] : memref<16384x128xf32, #tpu.memory_space<hbm>> -> memref<128x128xf32, #tpu.memory_space<hbm>>
    %dma_start3A_269 = arith.constant 0 : i32
    %dma_start3A_270 = tpu.memref_slice %arg5[%add3A_260, %dma_start3A_269] : memref<16384x128xf32, #tpu.memory_space<hbm>> -> memref<128x128xf32, #tpu.memory_space<hbm>>
    %dma_start3A_271 = arith.constant 0 : i32
    %dma_start3A_272 = arith.constant 0 : i32
    %dma_start3A_273 = tpu.memref_slice %arg7[%dma_start3A_261, %dma_start3A_262, %dma_start3A_271, %dma_start3A_272] : memref<3x2x128x128xf32, #tpu.memory_space<vmem>> -> memref<1x1x128x128xf32, #tpu.memory_space<vmem>>
    %dma_start3A_274 = tpu.memref_squeeze %dma_start3A_273 : memref<1x1x128x128xf32, #tpu.memory_space<vmem>> -> memref<128x128xf32, #tpu.memory_space<vmem>>
    tpu.enqueue_dma source(%dma_start3A_274 : memref<128x128xf32, #tpu.memory_space<vmem>>) target(%dma_start3A_270 : memref<128x128xf32, #tpu.memory_space<hbm>>) target_semaphore(%arg11 : memref<!tpu.dma_semaphore, #tpu.memory_space<semaphore_mem>>)
    %dma_wait3A_275 = arith.constant 0 : i32
    %dma_wait3A_276 = arith.constant 0 : i32
    %dma_wait3A_277 = arith.constant 0 : i32
    %dma_wait3A_278 = arith.constant 0 : i32
    %dma_wait3A_279 = arith.constant 0 : i32
    %dma_wait3A_280 = tpu.memref_slice %arg7[%dma_wait3A_276, %dma_wait3A_277, %dma_wait3A_278, %dma_wait3A_279] : memref<3x2x128x128xf32, #tpu.memory_space<vmem>> -> memref<1x1x128x128xf32, #tpu.memory_space<vmem>>
    %dma_wait3A_281 = tpu.memref_squeeze %dma_wait3A_280 : memref<1x1x128x128xf32, #tpu.memory_space<vmem>> -> memref<128x128xf32, #tpu.memory_space<vmem>>
    %dma_wait3A_282 = arith.constant 384 : i32
    %dma_wait3A_283 = tpu.memref_slice %arg6[%dma_wait3A_275, %dma_wait3A_282] : memref<2x512xi32, #tpu.memory_space<vmem>> -> memref<1x128xi32, #tpu.memory_space<vmem>>
    %dma_wait3A_284 = tpu.memref_squeeze %dma_wait3A_283 : memref<1x128xi32, #tpu.memory_space<vmem>> -> memref<128xi32, #tpu.memory_space<vmem>>
    %dma_wait3A_285 = arith.constant 0 : i32
    %dma_wait3A_286 = arith.constant 0 : i32
    %dma_wait3A_287 = tpu.memref_slice %arg2[%dma_wait3A_285, %dma_wait3A_286] : memref<3597x128xf32, #tpu.memory_space<hbm>> -> memref<3597x128xf32, #tpu.memory_space<hbm>>
    tpu.wait_indirect_dma semaphore(%arg8 : memref<!tpu.dma_semaphore, #tpu.memory_space<semaphore_mem>>) src(%dma_wait3A_287 : memref<3597x128xf32, #tpu.memory_space<hbm>>) dst(%dma_wait3A_281 : memref<128x128xf32, #tpu.memory_space<vmem>>)
    %dma_wait3A_288 = arith.constant 1 : i32
    %dma_wait3A_289 = arith.constant 0 : i32
    %dma_wait3A_290 = arith.constant 1 : i32
    %dma_wait3A_291 = arith.constant 0 : i32
    %dma_wait3A_292 = arith.constant 0 : i32
    %dma_wait3A_293 = tpu.memref_slice %arg7[%dma_wait3A_289, %dma_wait3A_290, %dma_wait3A_291, %dma_wait3A_292] : memref<3x2x128x128xf32, #tpu.memory_space<vmem>> -> memref<1x1x128x128xf32, #tpu.memory_space<vmem>>
    %dma_wait3A_294 = tpu.memref_squeeze %dma_wait3A_293 : memref<1x1x128x128xf32, #tpu.memory_space<vmem>> -> memref<128x128xf32, #tpu.memory_space<vmem>>
    %dma_wait3A_295 = arith.constant 384 : i32
    %dma_wait3A_296 = tpu.memref_slice %arg6[%dma_wait3A_288, %dma_wait3A_295] : memref<2x512xi32, #tpu.memory_space<vmem>> -> memref<1x128xi32, #tpu.memory_space<vmem>>
    %dma_wait3A_297 = tpu.memref_squeeze %dma_wait3A_296 : memref<1x128xi32, #tpu.memory_space<vmem>> -> memref<128xi32, #tpu.memory_space<vmem>>
    %dma_wait3A_298 = arith.constant 0 : i32
    %dma_wait3A_299 = arith.constant 0 : i32
    %dma_wait3A_300 = tpu.memref_slice %arg3[%dma_wait3A_298, %dma_wait3A_299] : memref<563x128xf32, #tpu.memory_space<hbm>> -> memref<563x128xf32, #tpu.memory_space<hbm>>
    tpu.wait_indirect_dma semaphore(%arg8 : memref<!tpu.dma_semaphore, #tpu.memory_space<semaphore_mem>>) src(%dma_wait3A_300 : memref<563x128xf32, #tpu.memory_space<hbm>>) dst(%dma_wait3A_294 : memref<128x128xf32, #tpu.memory_space<vmem>>)
    %scan3A_301 = arith.constant 0 : i32
    %scan3A_302 = arith.constant 0 : i32
    %scan3A_303 = arith.constant 128 : i32
    %scan3A_304 = arith.addi %scan3A_302, %scan3A_303 : i32
    %scan3A_305 = arith.constant 1 : i32
    scf.for %scan3A_367 = %scan3A_302 to %scan3A_304 step %scan3A_305  : i32 {
      %get3A = arith.constant 0 : i32
      %get3A_368 = arith.constant 0 : i32
      %get3A_369 = arith.index_cast %get3A : i32 to index
      %get3A_370 = arith.index_cast %get3A_368 : i32 to index
      %get3A_371 = arith.index_cast %scan3A_367 : i32 to index
      %get3A_372 = arith.constant 0 : index
      %get3A_373 = tpu.vector_load %arg7[%get3A_369, %get3A_370, %get3A_371, %get3A_372] {strides = array<i32>} : memref<3x2x128x128xf32, #tpu.memory_space<vmem>>, vector<1x1x1x16xf32>,
      %get3A_374 = vector.shape_cast %get3A_373 : vector<1x1x1x16xf32> to vector<16xf32>
      %get3A_375 = arith.constant 0 : i32
      %get3A_376 = arith.constant 1 : i32
      %get3A_377 = arith.index_cast %get3A_375 : i32 to index
      %get3A_378 = arith.index_cast %get3A_376 : i32 to index
      %get3A_379 = arith.index_cast %scan3A_367 : i32 to index
      %get3A_380 = arith.constant 0 : index
      %get3A_381 = tpu.vector_load %arg7[%get3A_377, %get3A_378, %get3A_379, %get3A_380] {strides = array<i32>} : memref<3x2x128x128xf32, #tpu.memory_space<vmem>>, vector<1x1x1x16xf32>,
      %get3A_382 = vector.shape_cast %get3A_381 : vector<1x1x1x16xf32> to vector<16xf32>
      %add3A_383 = arith.addf %get3A_374, %get3A_382 : vector<16xf32>
      %swap3A = arith.constant 0 : i32
      %swap3A_384 = arith.constant 0 : i32
      %swap3A_385 = arith.index_cast %swap3A : i32 to index
      %swap3A_386 = arith.index_cast %swap3A_384 : i32 to index
      %swap3A_387 = arith.index_cast %scan3A_367 : i32 to index
      %swap3A_388 = arith.constant 0 : index
      %swap3A_389 = tpu.vector_load %arg7[%swap3A_385, %swap3A_386, %swap3A_387, %swap3A_388] {strides = array<i32>} : memref<3x2x128x128xf32, #tpu.memory_space<vmem>>, vector<1x1x1x16xf32>,
      %swap3A_390 = vector.shape_cast %swap3A_389 : vector<1x1x1x16xf32> to vector<16xf32>
      %swap3A_391 = vector.shape_cast %add3A_383 : vector<16xf32> to vector<1x1x1x16xf32>
      tpu.vector_store %arg7[%swap3A_385, %swap3A_386, %swap3A_387, %swap3A_388], %swap3A_391 {strides = array<i32>} : memref<3x2x128x128xf32, #tpu.memory_space<vmem>>, vector<1x1x1x16xf32>,
      %get3A_392 = arith.constant 0 : i32
      %get3A_393 = arith.constant 0 : i32
      %get3A_394 = arith.index_cast %get3A_392 : i32 to index
      %get3A_395 = arith.index_cast %get3A_393 : i32 to index
      %get3A_396 = arith.index_cast %scan3A_367 : i32 to index
      %get3A_397 = arith.constant 16 : index
      %get3A_398 = tpu.vector_load %arg7[%get3A_394, %get3A_395, %get3A_396, %get3A_397] {strides = array<i32>} : memref<3x2x128x128xf32, #tpu.memory_space<vmem>>, vector<1x1x1x16xf32>,
      %get3A_399 = vector.shape_cast %get3A_398 : vector<1x1x1x16xf32> to vector<16xf32>
      %get3A_400 = arith.constant 0 : i32
      %get3A_401 = arith.constant 1 : i32
      %get3A_402 = arith.index_cast %get3A_400 : i32 to index
      %get3A_403 = arith.index_cast %get3A_401 : i32 to index
      %get3A_404 = arith.index_cast %scan3A_367 : i32 to index
      %get3A_405 = arith.constant 16 : index
      %get3A_406 = tpu.vector_load %arg7[%get3A_402, %get3A_403, %get3A_404, %get3A_405] {strides = array<i32>} : memref<3x2x128x128xf32, #tpu.memory_space<vmem>>, vector<1x1x1x16xf32>,
      %get3A_407 = vector.shape_cast %get3A_406 : vector<1x1x1x16xf32> to vector<16xf32>
      %add3A_408 = arith.addf %get3A_399, %get3A_407 : vector<16xf32>
      %swap3A_409 = arith.constant 0 : i32
      %swap3A_410 = arith.constant 0 : i32
      %swap3A_411 = arith.index_cast %swap3A_409 : i32 to index
      %swap3A_412 = arith.index_cast %swap3A_410 : i32 to index
      %swap3A_413 = arith.index_cast %scan3A_367 : i32 to index
      %swap3A_414 = arith.constant 16 : index
      %swap3A_415 = tpu.vector_load %arg7[%swap3A_411, %swap3A_412, %swap3A_413, %swap3A_414] {strides = array<i32>} : memref<3x2x128x128xf32, #tpu.memory_space<vmem>>, vector<1x1x1x16xf32>,
      %swap3A_416 = vector.shape_cast %swap3A_415 : vector<1x1x1x16xf32> to vector<16xf32>
      %swap3A_417 = vector.shape_cast %add3A_408 : vector<16xf32> to vector<1x1x1x16xf32>
      tpu.vector_store %arg7[%swap3A_411, %swap3A_412, %swap3A_413, %swap3A_414], %swap3A_417 {strides = array<i32>} : memref<3x2x128x128xf32, #tpu.memory_space<vmem>>, vector<1x1x1x16xf32>,
      %get3A_418 = arith.constant 0 : i32
      %get3A_419 = arith.constant 0 : i32
      %get3A_420 = arith.index_cast %get3A_418 : i32 to index
      %get3A_421 = arith.index_cast %get3A_419 : i32 to index
      %get3A_422 = arith.index_cast %scan3A_367 : i32 to index
      %get3A_423 = arith.constant 32 : index
      %get3A_424 = tpu.vector_load %arg7[%get3A_420, %get3A_421, %get3A_422, %get3A_423] {strides = array<i32>} : memref<3x2x128x128xf32, #tpu.memory_space<vmem>>, vector<1x1x1x16xf32>,
      %get3A_425 = vector.shape_cast %get3A_424 : vector<1x1x1x16xf32> to vector<16xf32>
      %get3A_426 = arith.constant 0 : i32
      %get3A_427 = arith.constant 1 : i32
      %get3A_428 = arith.index_cast %get3A_426 : i32 to index
      %get3A_429 = arith.index_cast %get3A_427 : i32 to index
      %get3A_430 = arith.index_cast %scan3A_367 : i32 to index
      %get3A_431 = arith.constant 32 : index
      %get3A_432 = tpu.vector_load %arg7[%get3A_428, %get3A_429, %get3A_430, %get3A_431] {strides = array<i32>} : memref<3x2x128x128xf32, #tpu.memory_space<vmem>>, vector<1x1x1x16xf32>,
      %get3A_433 = vector.shape_cast %get3A_432 : vector<1x1x1x16xf32> to vector<16xf32>
      %add3A_434 = arith.addf %get3A_425, %get3A_433 : vector<16xf32>
      %swap3A_435 = arith.constant 0 : i32
      %swap3A_436 = arith.constant 0 : i32
      %swap3A_437 = arith.index_cast %swap3A_435 : i32 to index
      %swap3A_438 = arith.index_cast %swap3A_436 : i32 to index
      %swap3A_439 = arith.index_cast %scan3A_367 : i32 to index
      %swap3A_440 = arith.constant 32 : index
      %swap3A_441 = tpu.vector_load %arg7[%swap3A_437, %swap3A_438, %swap3A_439, %swap3A_440] {strides = array<i32>} : memref<3x2x128x128xf32, #tpu.memory_space<vmem>>, vector<1x1x1x16xf32>,
      %swap3A_442 = vector.shape_cast %swap3A_441 : vector<1x1x1x16xf32> to vector<16xf32>
      %swap3A_443 = vector.shape_cast %add3A_434 : vector<16xf32> to vector<1x1x1x16xf32>
      tpu.vector_store %arg7[%swap3A_437, %swap3A_438, %swap3A_439, %swap3A_440], %swap3A_443 {strides = array<i32>} : memref<3x2x128x128xf32, #tpu.memory_space<vmem>>, vector<1x1x1x16xf32>,
      %get3A_444 = arith.constant 0 : i32
      %get3A_445 = arith.constant 0 : i32
      %get3A_446 = arith.index_cast %get3A_444 : i32 to index
      %get3A_447 = arith.index_cast %get3A_445 : i32 to index
      %get3A_448 = arith.index_cast %scan3A_367 : i32 to index
      %get3A_449 = arith.constant 48 : index
      %get3A_450 = tpu.vector_load %arg7[%get3A_446, %get3A_447, %get3A_448, %get3A_449] {strides = array<i32>} : memref<3x2x128x128xf32, #tpu.memory_space<vmem>>, vector<1x1x1x16xf32>,
      %get3A_451 = vector.shape_cast %get3A_450 : vector<1x1x1x16xf32> to vector<16xf32>
      %get3A_452 = arith.constant 0 : i32
      %get3A_453 = arith.constant 1 : i32
      %get3A_454 = arith.index_cast %get3A_452 : i32 to index
      %get3A_455 = arith.index_cast %get3A_453 : i32 to index
      %get3A_456 = arith.index_cast %scan3A_367 : i32 to index
      %get3A_457 = arith.constant 48 : index
      %get3A_458 = tpu.vector_load %arg7[%get3A_454, %get3A_455, %get3A_456, %get3A_457] {strides = array<i32>} : memref<3x2x128x128xf32, #tpu.memory_space<vmem>>, vector<1x1x1x16xf32>,
      %get3A_459 = vector.shape_cast %get3A_458 : vector<1x1x1x16xf32> to vector<16xf32>
      %add3A_460 = arith.addf %get3A_451, %get3A_459 : vector<16xf32>
      %swap3A_461 = arith.constant 0 : i32
      %swap3A_462 = arith.constant 0 : i32
      %swap3A_463 = arith.index_cast %swap3A_461 : i32 to index
      %swap3A_464 = arith.index_cast %swap3A_462 : i32 to index
      %swap3A_465 = arith.index_cast %scan3A_367 : i32 to index
      %swap3A_466 = arith.constant 48 : index
      %swap3A_467 = tpu.vector_load %arg7[%swap3A_463, %swap3A_464, %swap3A_465, %swap3A_466] {strides = array<i32>} : memref<3x2x128x128xf32, #tpu.memory_space<vmem>>, vector<1x1x1x16xf32>,
      %swap3A_468 = vector.shape_cast %swap3A_467 : vector<1x1x1x16xf32> to vector<16xf32>
      %swap3A_469 = vector.shape_cast %add3A_460 : vector<16xf32> to vector<1x1x1x16xf32>
      tpu.vector_store %arg7[%swap3A_463, %swap3A_464, %swap3A_465, %swap3A_466], %swap3A_469 {strides = array<i32>} : memref<3x2x128x128xf32, #tpu.memory_space<vmem>>, vector<1x1x1x16xf32>,
      %get3A_470 = arith.constant 0 : i32
      %get3A_471 = arith.constant 0 : i32
      %get3A_472 = arith.index_cast %get3A_470 : i32 to index
      %get3A_473 = arith.index_cast %get3A_471 : i32 to index
      %get3A_474 = arith.index_cast %scan3A_367 : i32 to index
      %get3A_475 = arith.constant 64 : index
      %get3A_476 = tpu.vector_load %arg7[%get3A_472, %get3A_473, %get3A_474, %get3A_475] {strides = array<i32>} : memref<3x2x128x128xf32, #tpu.memory_space<vmem>>, vector<1x1x1x16xf32>,
      %get3A_477 = vector.shape_cast %get3A_476 : vector<1x1x1x16xf32> to vector<16xf32>
      %get3A_478 = arith.constant 0 : i32
      %get3A_479 = arith.constant 1 : i32
      %get3A_480 = arith.index_cast %get3A_478 : i32 to index
      %get3A_481 = arith.index_cast %get3A_479 : i32 to index
      %get3A_482 = arith.index_cast %scan3A_367 : i32 to index
      %get3A_483 = arith.constant 64 : index
      %get3A_484 = tpu.vector_load %arg7[%get3A_480, %get3A_481, %get3A_482, %get3A_483] {strides = array<i32>} : memref<3x2x128x128xf32, #tpu.memory_space<vmem>>, vector<1x1x1x16xf32>,
      %get3A_485 = vector.shape_cast %get3A_484 : vector<1x1x1x16xf32> to vector<16xf32>
      %add3A_486 = arith.addf %get3A_477, %get3A_485 : vector<16xf32>
      %swap3A_487 = arith.constant 0 : i32
      %swap3A_488 = arith.constant 0 : i32
      %swap3A_489 = arith.index_cast %swap3A_487 : i32 to index
      %swap3A_490 = arith.index_cast %swap3A_488 : i32 to index
      %swap3A_491 = arith.index_cast %scan3A_367 : i32 to index
      %swap3A_492 = arith.constant 64 : index
      %swap3A_493 = tpu.vector_load %arg7[%swap3A_489, %swap3A_490, %swap3A_491, %swap3A_492] {strides = array<i32>} : memref<3x2x128x128xf32, #tpu.memory_space<vmem>>, vector<1x1x1x16xf32>,
      %swap3A_494 = vector.shape_cast %swap3A_493 : vector<1x1x1x16xf32> to vector<16xf32>
      %swap3A_495 = vector.shape_cast %add3A_486 : vector<16xf32> to vector<1x1x1x16xf32>
      tpu.vector_store %arg7[%swap3A_489, %swap3A_490, %swap3A_491, %swap3A_492], %swap3A_495 {strides = array<i32>} : memref<3x2x128x128xf32, #tpu.memory_space<vmem>>, vector<1x1x1x16xf32>,
      %get3A_496 = arith.constant 0 : i32
      %get3A_497 = arith.constant 0 : i32
      %get3A_498 = arith.index_cast %get3A_496 : i32 to index
      %get3A_499 = arith.index_cast %get3A_497 : i32 to index
      %get3A_500 = arith.index_cast %scan3A_367 : i32 to index
      %get3A_501 = arith.constant 80 : index
      %get3A_502 = tpu.vector_load %arg7[%get3A_498, %get3A_499, %get3A_500, %get3A_501] {strides = array<i32>} : memref<3x2x128x128xf32, #tpu.memory_space<vmem>>, vector<1x1x1x16xf32>,
      %get3A_503 = vector.shape_cast %get3A_502 : vector<1x1x1x16xf32> to vector<16xf32>
      %get3A_504 = arith.constant 0 : i32
      %get3A_505 = arith.constant 1 : i32
      %get3A_506 = arith.index_cast %get3A_504 : i32 to index
      %get3A_507 = arith.index_cast %get3A_505 : i32 to index
      %get3A_508 = arith.index_cast %scan3A_367 : i32 to index
      %get3A_509 = arith.constant 80 : index
      %get3A_510 = tpu.vector_load %arg7[%get3A_506, %get3A_507, %get3A_508, %get3A_509] {strides = array<i32>} : memref<3x2x128x128xf32, #tpu.memory_space<vmem>>, vector<1x1x1x16xf32>,
      %get3A_511 = vector.shape_cast %get3A_510 : vector<1x1x1x16xf32> to vector<16xf32>
      %add3A_512 = arith.addf %get3A_503, %get3A_511 : vector<16xf32>
      %swap3A_513 = arith.constant 0 : i32
      %swap3A_514 = arith.constant 0 : i32
      %swap3A_515 = arith.index_cast %swap3A_513 : i32 to index
      %swap3A_516 = arith.index_cast %swap3A_514 : i32 to index
      %swap3A_517 = arith.index_cast %scan3A_367 : i32 to index
      %swap3A_518 = arith.constant 80 : index
      %swap3A_519 = tpu.vector_load %arg7[%swap3A_515, %swap3A_516, %swap3A_517, %swap3A_518] {strides = array<i32>} : memref<3x2x128x128xf32, #tpu.memory_space<vmem>>, vector<1x1x1x16xf32>,
      %swap3A_520 = vector.shape_cast %swap3A_519 : vector<1x1x1x16xf32> to vector<16xf32>
      %swap3A_521 = vector.shape_cast %add3A_512 : vector<16xf32> to vector<1x1x1x16xf32>
      tpu.vector_store %arg7[%swap3A_515, %swap3A_516, %swap3A_517, %swap3A_518], %swap3A_521 {strides = array<i32>} : memref<3x2x128x128xf32, #tpu.memory_space<vmem>>, vector<1x1x1x16xf32>,
      %get3A_522 = arith.constant 0 : i32
      %get3A_523 = arith.constant 0 : i32
      %get3A_524 = arith.index_cast %get3A_522 : i32 to index
      %get3A_525 = arith.index_cast %get3A_523 : i32 to index
      %get3A_526 = arith.index_cast %scan3A_367 : i32 to index
      %get3A_527 = arith.constant 96 : index
      %get3A_528 = tpu.vector_load %arg7[%get3A_524, %get3A_525, %get3A_526, %get3A_527] {strides = array<i32>} : memref<3x2x128x128xf32, #tpu.memory_space<vmem>>, vector<1x1x1x16xf32>,
      %get3A_529 = vector.shape_cast %get3A_528 : vector<1x1x1x16xf32> to vector<16xf32>
      %get3A_530 = arith.constant 0 : i32
      %get3A_531 = arith.constant 1 : i32
      %get3A_532 = arith.index_cast %get3A_530 : i32 to index
      %get3A_533 = arith.index_cast %get3A_531 : i32 to index
      %get3A_534 = arith.index_cast %scan3A_367 : i32 to index
      %get3A_535 = arith.constant 96 : index
      %get3A_536 = tpu.vector_load %arg7[%get3A_532, %get3A_533, %get3A_534, %get3A_535] {strides = array<i32>} : memref<3x2x128x128xf32, #tpu.memory_space<vmem>>, vector<1x1x1x16xf32>,
      %get3A_537 = vector.shape_cast %get3A_536 : vector<1x1x1x16xf32> to vector<16xf32>
      %add3A_538 = arith.addf %get3A_529, %get3A_537 : vector<16xf32>
      %swap3A_539 = arith.constant 0 : i32
      %swap3A_540 = arith.constant 0 : i32
      %swap3A_541 = arith.index_cast %swap3A_539 : i32 to index
      %swap3A_542 = arith.index_cast %swap3A_540 : i32 to index
      %swap3A_543 = arith.index_cast %scan3A_367 : i32 to index
      %swap3A_544 = arith.constant 96 : index
      %swap3A_545 = tpu.vector_load %arg7[%swap3A_541, %swap3A_542, %swap3A_543, %swap3A_544] {strides = array<i32>} : memref<3x2x128x128xf32, #tpu.memory_space<vmem>>, vector<1x1x1x16xf32>,
      %swap3A_546 = vector.shape_cast %swap3A_545 : vector<1x1x1x16xf32> to vector<16xf32>
      %swap3A_547 = vector.shape_cast %add3A_538 : vector<16xf32> to vector<1x1x1x16xf32>
      tpu.vector_store %arg7[%swap3A_541, %swap3A_542, %swap3A_543, %swap3A_544], %swap3A_547 {strides = array<i32>} : memref<3x2x128x128xf32, #tpu.memory_space<vmem>>, vector<1x1x1x16xf32>,
      %get3A_548 = arith.constant 0 : i32
      %get3A_549 = arith.constant 0 : i32
      %get3A_550 = arith.index_cast %get3A_548 : i32 to index
      %get3A_551 = arith.index_cast %get3A_549 : i32 to index
      %get3A_552 = arith.index_cast %scan3A_367 : i32 to index
      %get3A_553 = arith.constant 112 : index
      %get3A_554 = tpu.vector_load %arg7[%get3A_550, %get3A_551, %get3A_552, %get3A_553] {strides = array<i32>} : memref<3x2x128x128xf32, #tpu.memory_space<vmem>>, vector<1x1x1x16xf32>,
      %get3A_555 = vector.shape_cast %get3A_554 : vector<1x1x1x16xf32> to vector<16xf32>
      %get3A_556 = arith.constant 0 : i32
      %get3A_557 = arith.constant 1 : i32
      %get3A_558 = arith.index_cast %get3A_556 : i32 to index
      %get3A_559 = arith.index_cast %get3A_557 : i32 to index
      %get3A_560 = arith.index_cast %scan3A_367 : i32 to index
      %get3A_561 = arith.constant 112 : index
      %get3A_562 = tpu.vector_load %arg7[%get3A_558, %get3A_559, %get3A_560, %get3A_561] {strides = array<i32>} : memref<3x2x128x128xf32, #tpu.memory_space<vmem>>, vector<1x1x1x16xf32>,
      %get3A_563 = vector.shape_cast %get3A_562 : vector<1x1x1x16xf32> to vector<16xf32>
      %add3A_564 = arith.addf %get3A_555, %get3A_563 : vector<16xf32>
      %swap3A_565 = arith.constant 0 : i32
      %swap3A_566 = arith.constant 0 : i32
      %swap3A_567 = arith.index_cast %swap3A_565 : i32 to index
      %swap3A_568 = arith.index_cast %swap3A_566 : i32 to index
      %swap3A_569 = arith.index_cast %scan3A_367 : i32 to index
      %swap3A_570 = arith.constant 112 : index
      %swap3A_571 = tpu.vector_load %arg7[%swap3A_567, %swap3A_568, %swap3A_569, %swap3A_570] {strides = array<i32>} : memref<3x2x128x128xf32, #tpu.memory_space<vmem>>, vector<1x1x1x16xf32>,
      %swap3A_572 = vector.shape_cast %swap3A_571 : vector<1x1x1x16xf32> to vector<16xf32>
      %swap3A_573 = vector.shape_cast %add3A_564 : vector<16xf32> to vector<1x1x1x16xf32>
      tpu.vector_store %arg7[%swap3A_567, %swap3A_568, %swap3A_569, %swap3A_570], %swap3A_573 {strides = array<i32>} : memref<3x2x128x128xf32, #tpu.memory_space<vmem>>, vector<1x1x1x16xf32>,
    }
    %scan3A_306 = arith.constant 128 : i32
    %mul3A_307 = arith.constant 512 : i32
    %mul3A_308 = arith.muli %add3A, %mul3A_307 : i32
    %add3A_309 = arith.constant 384 : i32
    %add3A_310 = arith.addi %mul3A_308, %add3A_309 : i32
    %dma_start3A_311 = arith.constant 0 : i32
    %dma_start3A_312 = arith.constant 0 : i32
    %dma_start3A_313 = arith.constant 0 : i32
    %dma_start3A_314 = arith.constant 0 : i32
    %dma_start3A_315 = tpu.memref_slice %arg7[%dma_start3A_311, %dma_start3A_312, %dma_start3A_313, %dma_start3A_314] : memref<3x2x128x128xf32, #tpu.memory_space<vmem>> -> memref<1x1x128x128xf32, #tpu.memory_space<vmem>>
    %dma_start3A_316 = tpu.memref_squeeze %dma_start3A_315 : memref<1x1x128x128xf32, #tpu.memory_space<vmem>> -> memref<128x128xf32, #tpu.memory_space<vmem>>
    %dma_start3A_317 = arith.constant 0 : i32
    %dma_start3A_318 = tpu.memref_slice %arg5[%add3A_310, %dma_start3A_317] : memref<16384x128xf32, #tpu.memory_space<hbm>> -> memref<128x128xf32, #tpu.memory_space<hbm>>
    %dma_start3A_319 = arith.constant 0 : i32
    %dma_start3A_320 = tpu.memref_slice %arg5[%add3A_310, %dma_start3A_319] : memref<16384x128xf32, #tpu.memory_space<hbm>> -> memref<128x128xf32, #tpu.memory_space<hbm>>
    %dma_start3A_321 = arith.constant 0 : i32
    %dma_start3A_322 = arith.constant 0 : i32
    %dma_start3A_323 = tpu.memref_slice %arg7[%dma_start3A_311, %dma_start3A_312, %dma_start3A_321, %dma_start3A_322] : memref<3x2x128x128xf32, #tpu.memory_space<vmem>> -> memref<1x1x128x128xf32, #tpu.memory_space<vmem>>
    %dma_start3A_324 = tpu.memref_squeeze %dma_start3A_323 : memref<1x1x128x128xf32, #tpu.memory_space<vmem>> -> memref<128x128xf32, #tpu.memory_space<vmem>>
    tpu.enqueue_dma source(%dma_start3A_324 : memref<128x128xf32, #tpu.memory_space<vmem>>) target(%dma_start3A_320 : memref<128x128xf32, #tpu.memory_space<hbm>>) target_semaphore(%arg11 : memref<!tpu.dma_semaphore, #tpu.memory_space<semaphore_mem>>)
    %dma_wait3A_325 = arith.constant 0 : i32
    %dma_wait3A_326 = arith.constant 0 : i32
    %dma_wait3A_327 = arith.constant 0 : i32
    %dma_wait3A_328 = arith.constant 0 : i32
    %dma_wait3A_329 = tpu.memref_slice %arg7[%dma_wait3A_325, %dma_wait3A_326, %dma_wait3A_327, %dma_wait3A_328] : memref<3x2x128x128xf32, #tpu.memory_space<vmem>> -> memref<1x1x128x128xf32, #tpu.memory_space<vmem>>
    %dma_wait3A_330 = tpu.memref_squeeze %dma_wait3A_329 : memref<1x1x128x128xf32, #tpu.memory_space<vmem>> -> memref<128x128xf32, #tpu.memory_space<vmem>>
    %dma_wait3A_331 = arith.constant 0 : i32
    %dma_wait3A_332 = tpu.memref_slice %arg5[%add3A_310, %dma_wait3A_331] : memref<16384x128xf32, #tpu.memory_space<hbm>> -> memref<128x128xf32, #tpu.memory_space<hbm>>
    %dma_wait3A_333 = arith.constant 0 : i32
    %dma_wait3A_334 = tpu.memref_slice %arg5[%add3A_310, %dma_wait3A_333] : memref<16384x128xf32, #tpu.memory_space<hbm>> -> memref<128x128xf32, #tpu.memory_space<hbm>>
    %dma_wait3A_335 = arith.constant 0 : i32
    %dma_wait3A_336 = arith.constant 0 : i32
    %dma_wait3A_337 = tpu.memref_slice %arg7[%dma_wait3A_325, %dma_wait3A_326, %dma_wait3A_335, %dma_wait3A_336] : memref<3x2x128x128xf32, #tpu.memory_space<vmem>> -> memref<1x1x128x128xf32, #tpu.memory_space<vmem>>
    %dma_wait3A_338 = tpu.memref_squeeze %dma_wait3A_337 : memref<1x1x128x128xf32, #tpu.memory_space<vmem>> -> memref<128x128xf32, #tpu.memory_space<vmem>>
    tpu.wait_dma2 semaphore(%arg11 : memref<!tpu.dma_semaphore, #tpu.memory_space<semaphore_mem>>) src(%dma_wait3A_338 : memref<128x128xf32, #tpu.memory_space<vmem>>) dst(%dma_wait3A_334 : memref<128x128xf32, #tpu.memory_space<hbm>>)
    %dma_wait3A_339 = arith.constant 1 : i32
    %dma_wait3A_340 = arith.constant 0 : i32
    %dma_wait3A_341 = arith.constant 0 : i32
    %dma_wait3A_342 = arith.constant 0 : i32
    %dma_wait3A_343 = tpu.memref_slice %arg7[%dma_wait3A_339, %dma_wait3A_340, %dma_wait3A_341, %dma_wait3A_342] : memref<3x2x128x128xf32, #tpu.memory_space<vmem>> -> memref<1x1x128x128xf32, #tpu.memory_space<vmem>>
    %dma_wait3A_344 = tpu.memref_squeeze %dma_wait3A_343 : memref<1x1x128x128xf32, #tpu.memory_space<vmem>> -> memref<128x128xf32, #tpu.memory_space<vmem>>
    %dma_wait3A_345 = arith.constant 0 : i32
    %dma_wait3A_346 = tpu.memref_slice %arg5[%add3A_210, %dma_wait3A_345] : memref<16384x128xf32, #tpu.memory_space<hbm>> -> memref<128x128xf32, #tpu.memory_space<hbm>>
    %dma_wait3A_347 = arith.constant 0 : i32
    %dma_wait3A_348 = tpu.memref_slice %arg5[%add3A_210, %dma_wait3A_347] : memref<16384x128xf32, #tpu.memory_space<hbm>> -> memref<128x128xf32, #tpu.memory_space<hbm>>
    %dma_wait3A_349 = arith.constant 0 : i32
    %dma_wait3A_350 = arith.constant 0 : i32
    %dma_wait3A_351 = tpu.memref_slice %arg7[%dma_wait3A_339, %dma_wait3A_340, %dma_wait3A_349, %dma_wait3A_350] : memref<3x2x128x128xf32, #tpu.memory_space<vmem>> -> memref<1x1x128x128xf32, #tpu.memory_space<vmem>>
    %dma_wait3A_352 = tpu.memref_squeeze %dma_wait3A_351 : memref<1x1x128x128xf32, #tpu.memory_space<vmem>> -> memref<128x128xf32, #tpu.memory_space<vmem>>
    tpu.wait_dma2 semaphore(%arg11 : memref<!tpu.dma_semaphore, #tpu.memory_space<semaphore_mem>>) src(%dma_wait3A_352 : memref<128x128xf32, #tpu.memory_space<vmem>>) dst(%dma_wait3A_348 : memref<128x128xf32, #tpu.memory_space<hbm>>)
    %dma_wait3A_353 = arith.constant 2 : i32
    %dma_wait3A_354 = arith.constant 0 : i32
    %dma_wait3A_355 = arith.constant 0 : i32
    %dma_wait3A_356 = arith.constant 0 : i32
    %dma_wait3A_357 = tpu.memref_slice %arg7[%dma_wait3A_353, %dma_wait3A_354, %dma_wait3A_355, %dma_wait3A_356] : memref<3x2x128x128xf32, #tpu.memory_space<vmem>> -> memref<1x1x128x128xf32, #tpu.memory_space<vmem>>
    %dma_wait3A_358 = tpu.memref_squeeze %dma_wait3A_357 : memref<1x1x128x128xf32, #tpu.memory_space<vmem>> -> memref<128x128xf32, #tpu.memory_space<vmem>>
    %dma_wait3A_359 = arith.constant 0 : i32
    %dma_wait3A_360 = tpu.memref_slice %arg5[%add3A_260, %dma_wait3A_359] : memref<16384x128xf32, #tpu.memory_space<hbm>> -> memref<128x128xf32, #tpu.memory_space<hbm>>
    %dma_wait3A_361 = arith.constant 0 : i32
    %dma_wait3A_362 = tpu.memref_slice %arg5[%add3A_260, %dma_wait3A_361] : memref<16384x128xf32, #tpu.memory_space<hbm>> -> memref<128x128xf32, #tpu.memory_space<hbm>>
    %dma_wait3A_363 = arith.constant 0 : i32
    %dma_wait3A_364 = arith.constant 0 : i32
    %dma_wait3A_365 = tpu.memref_slice %arg7[%dma_wait3A_353, %dma_wait3A_354, %dma_wait3A_363, %dma_wait3A_364] : memref<3x2x128x128xf32, #tpu.memory_space<vmem>> -> memref<1x1x128x128xf32, #tpu.memory_space<vmem>>
    %dma_wait3A_366 = tpu.memref_squeeze %dma_wait3A_365 : memref<1x1x128x128xf32, #tpu.memory_space<vmem>> -> memref<128x128xf32, #tpu.memory_space<vmem>>
    tpu.wait_dma2 semaphore(%arg11 : memref<!tpu.dma_semaphore, #tpu.memory_space<semaphore_mem>>) src(%dma_wait3A_366 : memref<128x128xf32, #tpu.memory_space<vmem>>) dst(%dma_wait3A_362 : memref<128x128xf32, #tpu.memory_space<hbm>>)
    return
  }
}

module attributes {stable_mosaic.version = 14 : i64} {
  func.func @_fold_small_body(%arg0: memref<5x5xf32, #tpu.memory_space<vmem>>, %arg1: memref<4x4xf32, #tpu.memory_space<vmem>>, %arg2: memref<282x563xf32, #tpu.memory_space<vmem>>, %arg3: memref<7x3597xf32, #tpu.memory_space<vmem>>, %arg4: memref<128x2093xf32, #tpu.memory_space<vmem>>, %arg5: memref<128x12xf32, #tpu.memory_space<vmem>>, %arg6: memref<563x128xf32, #tpu.memory_space<vmem>>, %arg7: memref<3597x128xf32, #tpu.memory_space<vmem>>) attributes {dimension_semantics = [], scalar_prefetch = 0 : i64, scratch_operands = 0 : i64, tpu.core_type = #tpu.core_type<tc>} {
    %get3A = arith.constant 0 : index
    %get3A_0 = arith.constant 0 : index
    %get3A_1 = vector.load %arg4[%get3A, %get3A_0] : memref<128x2093xf32, #tpu.memory_space<vmem>>, vector<128x2093xf32>
    %slice3A = vector.extract_strided_slice %get3A_1 {offsets = [0, 0], sizes = [128, 5], strides = [1, 1]} : vector<128x2093xf32> to vector<128x5xf32>
    %get3A_2 = arith.constant 0 : index
    %get3A_3 = arith.constant 0 : index
    %get3A_4 = vector.load %arg0[%get3A_2, %get3A_3] : memref<5x5xf32, #tpu.memory_space<vmem>>, vector<5x5xf32>
    %dot_general3A = arith.constant dense<0.000000e+00> : vector<128x5xf32>
    %dot_general3A_5 = tpu.matmul %slice3A, %get3A_4, %dot_general3A {dimension_numbers = #tpu.dot_dimension_numbers<[1], [1], [0], [0], [0, 0, 1, 0], [], []>, transpose_lhs_hint = false} : vector<128x5xf32>, vector<5x5xf32>, vector<128x5xf32> -> vector<128x5xf32>
    %slice3A_6 = vector.extract_strided_slice %get3A_1 {offsets = [0, 5], sizes = [128, 4], strides = [1, 1]} : vector<128x2093xf32> to vector<128x4xf32>
    %get3A_7 = arith.constant 0 : index
    %get3A_8 = arith.constant 0 : index
    %get3A_9 = vector.load %arg1[%get3A_7, %get3A_8] : memref<4x4xf32, #tpu.memory_space<vmem>>, vector<4x4xf32>
    %dot_general3A_10 = arith.constant dense<0.000000e+00> : vector<128x4xf32>
    %dot_general3A_11 = tpu.matmul %slice3A_6, %get3A_9, %dot_general3A_10 {dimension_numbers = #tpu.dot_dimension_numbers<[1], [1], [0], [0], [0, 0, 1, 0], [], []>, transpose_lhs_hint = false} : vector<128x4xf32>, vector<4x4xf32>, vector<128x4xf32> -> vector<128x4xf32>
    %slice3A_12 = vector.extract_strided_slice %get3A_1 {offsets = [0, 2090], sizes = [128, 3], strides = [1, 1]} : vector<128x2093xf32> to vector<128x3xf32>
    %concatenate3A = tpu.concatenate %dot_general3A_5, %dot_general3A_11, %slice3A_12 in 1 : vector<128x5xf32>, vector<128x4xf32>, vector<128x3xf32> -> vector<128x12xf32>
    %swap3A = arith.constant 0 : index
    %swap3A_13 = arith.constant 0 : index
    %swap3A_14 = vector.load %arg5[%swap3A, %swap3A_13] : memref<128x12xf32, #tpu.memory_space<vmem>>, vector<128x12xf32>
    tpu.vector_store %arg5[%swap3A, %swap3A_13], %concatenate3A {strides = array<i32>} : memref<128x12xf32, #tpu.memory_space<vmem>>, vector<128x12xf32>,
    %get3A_15 = arith.constant 0 : index
    %get3A_16 = arith.constant 0 : index
    %get3A_17 = vector.load %arg2[%get3A_15, %get3A_16] : memref<282x563xf32, #tpu.memory_space<vmem>>, vector<282x563xf32>
    %slice3A_18 = vector.extract_strided_slice %get3A_1 {offsets = [0, 1808], sizes = [128, 282], strides = [1, 1]} : vector<128x2093xf32> to vector<128x282xf32>
    %dot_general3A_19 = arith.constant dense<0.000000e+00> : vector<563x128xf32>
    %dot_general3A_20 = tpu.matmul %get3A_17, %slice3A_18, %dot_general3A_19 {dimension_numbers = #tpu.dot_dimension_numbers<[0], [1], [1], [0], [0, 1, 1, 0], [], []>, transpose_lhs_hint = false} : vector<282x563xf32>, vector<128x282xf32>, vector<563x128xf32> -> vector<563x128xf32>
    %swap3A_21 = arith.constant 0 : index
    %swap3A_22 = arith.constant 0 : index
    %swap3A_23 = vector.load %arg6[%swap3A_21, %swap3A_22] : memref<563x128xf32, #tpu.memory_space<vmem>>, vector<563x128xf32>
    tpu.vector_store %arg6[%swap3A_21, %swap3A_22], %dot_general3A_20 {strides = array<i32>} : memref<563x128xf32, #tpu.memory_space<vmem>>, vector<563x128xf32>,
    %get3A_24 = arith.constant 0 : index
    %get3A_25 = arith.constant 0 : index
    %get3A_26 = vector.load %arg3[%get3A_24, %get3A_25] : memref<7x3597xf32, #tpu.memory_space<vmem>>, vector<7x3597xf32>
    %slice3A_27 = vector.extract_strided_slice %get3A_1 {offsets = [0, 1801], sizes = [128, 7], strides = [1, 1]} : vector<128x2093xf32> to vector<128x7xf32>
    %dot_general3A_28 = arith.constant dense<0.000000e+00> : vector<3597x128xf32>
    %dot_general3A_29 = tpu.matmul %get3A_26, %slice3A_27, %dot_general3A_28 {dimension_numbers = #tpu.dot_dimension_numbers<[0], [1], [1], [0], [0, 1, 1, 0], [], []>, transpose_lhs_hint = false} : vector<7x3597xf32>, vector<128x7xf32>, vector<3597x128xf32> -> vector<3597x128xf32>
    %swap3A_30 = arith.constant 0 : index
    %swap3A_31 = arith.constant 0 : index
    %swap3A_32 = vector.load %arg7[%swap3A_30, %swap3A_31] : memref<3597x128xf32, #tpu.memory_space<vmem>>, vector<3597x128xf32>
    tpu.vector_store %arg7[%swap3A_30, %swap3A_31], %dot_general3A_29 {strides = array<i32>} : memref<3597x128xf32, #tpu.memory_space<vmem>>, vector<3597x128xf32>,
    return
  }
}

module attributes {stable_mosaic.version = 14 : i64} {
  func.func @_fold_big_body(%arg0: i32, %arg1: memref<256x3597xf32, #tpu.memory_space<vmem>>, %arg2: memref<256x128xf32, #tpu.memory_space<vmem>>, %arg3: memref<3597x128xf32, #tpu.memory_space<vmem>>, %arg4: memref<3597x128xf32, #tpu.memory_space<vmem>>) attributes {dimension_semantics = [#tpu.dimension_semantics<arbitrary>], iteration_bounds = array<i64: 7>, scalar_prefetch = 0 : i64, scratch_operands = 0 : i64, tpu.core_type = #tpu.core_type<tc>, window_params = [{transform_indices = @transform_0, window_bounds = array<i64: 256, 3597>}, {transform_indices = @transform_1, window_bounds = array<i64: 256, 128>}, {pipeline_mode = #tpu.pipeline_mode<synchronous>, transform_indices = @transform_2, window_bounds = array<i64: 3597, 128>}, {pipeline_mode = #tpu.pipeline_mode<synchronous>, transform_indices = @transform_3, window_bounds = array<i64: 3597, 128>}]} {
    %get3A = arith.constant 0 : index
    %get3A_0 = arith.constant 0 : index
    %get3A_1 = vector.load %arg1[%get3A, %get3A_0] : memref<256x3597xf32, #tpu.memory_space<vmem>>, vector<256x3597xf32>
    %get3A_2 = arith.constant 0 : index
    %get3A_3 = arith.constant 0 : index
    %get3A_4 = vector.load %arg2[%get3A_2, %get3A_3] : memref<256x128xf32, #tpu.memory_space<vmem>>, vector<256x128xf32>
    %dot_general3A = arith.constant dense<0.000000e+00> : vector<3597x128xf32>
    %dot_general3A_5 = tpu.matmul %get3A_1, %get3A_4, %dot_general3A {dimension_numbers = #tpu.dot_dimension_numbers<[0], [0], [1], [1], [0, 1, 1, 1], [], []>, transpose_lhs_hint = false} : vector<256x3597xf32>, vector<256x128xf32>, vector<3597x128xf32> -> vector<3597x128xf32>
    %eq3A = arith.constant 0 : i32
    %eq3A_6 = arith.cmpi eq, %arg0, %eq3A : i32
    %convert_element_type3A = arith.extui %eq3A_6 : i1 to i32
    %cond3A = arith.constant 0 : i32
    %cond3A_7 = arith.cmpi ne, %convert_element_type3A, %cond3A : i32
    scf.if %cond3A_7 {
      %get3A_12 = arith.constant 0 : index
      %get3A_13 = arith.constant 0 : index
      %get3A_14 = vector.load %arg3[%get3A_12, %get3A_13] : memref<3597x128xf32, #tpu.memory_space<vmem>>, vector<3597x128xf32>
      %add3A = arith.addf %get3A_14, %dot_general3A_5 : vector<3597x128xf32>
      %swap3A = arith.constant 0 : index
      %swap3A_15 = arith.constant 0 : index
      %swap3A_16 = vector.load %arg4[%swap3A, %swap3A_15] : memref<3597x128xf32, #tpu.memory_space<vmem>>, vector<3597x128xf32>
      tpu.vector_store %arg4[%swap3A, %swap3A_15], %add3A {strides = array<i32>} : memref<3597x128xf32, #tpu.memory_space<vmem>>, vector<3597x128xf32>,
    } else {
    }
    %gt3A = arith.constant 0 : i32
    %gt3A_8 = arith.cmpi sgt, %arg0, %gt3A : i32
    %convert_element_type3A_9 = arith.extui %gt3A_8 : i1 to i32
    %cond3A_10 = arith.constant 0 : i32
    %cond3A_11 = arith.cmpi ne, %convert_element_type3A_9, %cond3A_10 : i32
    scf.if %cond3A_11 {
      %get3A_12 = arith.constant 0 : index
      %get3A_13 = arith.constant 0 : index
      %get3A_14 = vector.load %arg4[%get3A_12, %get3A_13] : memref<3597x128xf32, #tpu.memory_space<vmem>>, vector<3597x128xf32>
      %add3A = arith.addf %get3A_14, %dot_general3A_5 : vector<3597x128xf32>
      %swap3A = arith.constant 0 : index
      %swap3A_15 = arith.constant 0 : index
      %swap3A_16 = vector.load %arg4[%swap3A, %swap3A_15] : memref<3597x128xf32, #tpu.memory_space<vmem>>, vector<3597x128xf32>
      tpu.vector_store %arg4[%swap3A, %swap3A_15], %add3A {strides = array<i32>} : memref<3597x128xf32, #tpu.memory_space<vmem>>, vector<3597x128xf32>,
    } else {
    }
    return
  }
  func.func @transform_0(%arg0: i32) -> (i32, i32) {
    %c0_i32 = arith.constant 0 : i32
    %c0_i32_0 = arith.constant 0 : i32
    return %arg0, %c0_i32 : i32, i32
  }
  func.func @transform_1(%arg0: i32) -> (i32, i32) {
    %c0_i32 = arith.constant 0 : i32
    %c0_i32_0 = arith.constant 0 : i32
    return %arg0, %c0_i32 : i32, i32
  }
  func.func @transform_2(%arg0: i32) -> (i32, i32) {
    %c0_i32 = arith.constant 0 : i32
    %c0_i32_0 = arith.constant 0 : i32
    %c0_i32_1 = arith.constant 0 : i32
    return %c0_i32, %c0_i32_0 : i32, i32
  }
  func.func @transform_3(%arg0: i32) -> (i32, i32) {
    %c0_i32 = arith.constant 0 : i32
    %c0_i32_0 = arith.constant 0 : i32
    %c0_i32_1 = arith.constant 0 : i32
    return %c0_i32, %c0_i32_0 : i32, i32
  }
}

module attributes {stable_mosaic.version = 14 : i64} {
  func.func @_mlp_body(%arg0: i32, %arg1: memref<8192x128xf32, #tpu.memory_space<vmem>>, %arg2: memref<4x8192xi32, #tpu.memory_space<vmem>>, %arg3: memref<3x8192xf32, #tpu.memory_space<vmem>>, %arg4: memref<128x12xf32, #tpu.memory_space<vmem>>, %arg5: memref<1x128xf32, #tpu.memory_space<vmem>>, %arg6: memref<128x64xf32, #tpu.memory_space<vmem>>, %arg7: memref<1x64xf32, #tpu.memory_space<vmem>>, %arg8: memref<64x1xf32, #tpu.memory_space<vmem>>, %arg9: memref<1x1xf32, #tpu.memory_space<vmem>>, %arg10: memref<1x8192xf32, #tpu.memory_space<vmem>>) attributes {dimension_semantics = [#tpu.dimension_semantics<arbitrary>], iteration_bounds = array<i64: 2>, scalar_prefetch = 0 : i64, scratch_operands = 0 : i64, tpu.core_type = #tpu.core_type<tc>, window_params = [{transform_indices = @transform_0, window_bounds = array<i64: 8192, 128>}, {transform_indices = @transform_1, window_bounds = array<i64: 4, 8192>}, {transform_indices = @transform_2, window_bounds = array<i64: 3, 8192>}, {pipeline_mode = #tpu.pipeline_mode<synchronous>, transform_indices = @transform_3, window_bounds = array<i64: 128, 12>}, {pipeline_mode = #tpu.pipeline_mode<synchronous>, transform_indices = @transform_4, window_bounds = array<i64: 1, 128>}, {pipeline_mode = #tpu.pipeline_mode<synchronous>, transform_indices = @transform_5, window_bounds = array<i64: 128, 64>}, {pipeline_mode = #tpu.pipeline_mode<synchronous>, transform_indices = @transform_6, window_bounds = array<i64: 1, 64>}, {pipeline_mode = #tpu.pipeline_mode<synchronous>, transform_indices = @transform_7, window_bounds = array<i64: 64, 1>}, {pipeline_mode = #tpu.pipeline_mode<synchronous>, transform_indices = @transform_8, window_bounds = array<i64: 1, 1>}, {transform_indices = @transform_9, window_bounds = array<i64: 1, 8192>}]} {
    %get3A = arith.constant 0 : index
    %get3A_0 = arith.constant 0 : index
    %get3A_1 = vector.load %arg2[%get3A, %get3A_0] : memref<4x8192xi32, #tpu.memory_space<vmem>>, vector<4x8192xi32>
    %slice3A = vector.extract_strided_slice %get3A_1 {offsets = [0, 0], sizes = [1, 8192], strides = [1, 1]} : vector<4x8192xi32> to vector<1x8192xi32>
    %iota3A = tpu.iota {dimensions = array<i32: 0>} : vector<5x8192xi32>
    %eq3A = vector.broadcast %slice3A : vector<1x8192xi32> to vector<5x8192xi32>
    %eq3A_2 = arith.cmpi eq, %eq3A, %iota3A : vector<5x8192xi32>
    %slice3A_3 = vector.extract_strided_slice %get3A_1 {offsets = [1, 0], sizes = [1, 8192], strides = [1, 1]} : vector<4x8192xi32> to vector<1x8192xi32>
    %iota3A_4 = tpu.iota {dimensions = array<i32: 0>} : vector<4x8192xi32>
    %eq3A_5 = vector.broadcast %slice3A_3 : vector<1x8192xi32> to vector<4x8192xi32>
    %eq3A_6 = arith.cmpi eq, %eq3A_5, %iota3A_4 : vector<4x8192xi32>
    %convert_element_type3A = arith.extui %eq3A_2 : vector<5x8192xi1> to vector<5x8192xi32>
    %convert_element_type3A_7 = arith.sitofp %convert_element_type3A : vector<5x8192xi32> to vector<5x8192xf32>
    %convert_element_type3A_8 = arith.extui %eq3A_6 : vector<4x8192xi1> to vector<4x8192xi32>
    %convert_element_type3A_9 = arith.sitofp %convert_element_type3A_8 : vector<4x8192xi32> to vector<4x8192xf32>
    %get3A_10 = arith.constant 0 : index
    %get3A_11 = arith.constant 0 : index
    %get3A_12 = vector.load %arg3[%get3A_10, %get3A_11] : memref<3x8192xf32, #tpu.memory_space<vmem>>, vector<3x8192xf32>
    %concatenate3A = tpu.concatenate %convert_element_type3A_7, %convert_element_type3A_9, %get3A_12 in 0 : vector<5x8192xf32>, vector<4x8192xf32>, vector<3x8192xf32> -> vector<12x8192xf32>
    %get3A_13 = arith.constant 0 : index
    %get3A_14 = arith.constant 0 : index
    %get3A_15 = vector.load %arg1[%get3A_13, %get3A_14] : memref<8192x128xf32, #tpu.memory_space<vmem>>, vector<8192x128xf32>
    %get3A_16 = arith.constant 0 : index
    %get3A_17 = arith.constant 0 : index
    %get3A_18 = vector.load %arg4[%get3A_16, %get3A_17] : memref<128x12xf32, #tpu.memory_space<vmem>>, vector<128x12xf32>
    %dot_general3A = arith.constant dense<0.000000e+00> : vector<8192x128xf32>
    %dot_general3A_19 = tpu.matmul %concatenate3A, %get3A_18, %dot_general3A {dimension_numbers = #tpu.dot_dimension_numbers<[0], [1], [1], [0], [0, 1, 1, 0], [], []>, transpose_lhs_hint = false} : vector<12x8192xf32>, vector<128x12xf32>, vector<8192x128xf32> -> vector<8192x128xf32>
    %add3A = arith.addf %get3A_15, %dot_general3A_19 : vector<8192x128xf32>
    %get3A_20 = arith.constant 0 : index
    %get3A_21 = arith.constant 0 : index
    %get3A_22 = vector.load %arg5[%get3A_20, %get3A_21] : memref<1x128xf32, #tpu.memory_space<vmem>>, vector<1x128xf32>
    %add3A_23 = vector.broadcast %get3A_22 : vector<1x128xf32> to vector<8192x128xf32>
    %add3A_24 = arith.addf %add3A, %add3A_23 : vector<8192x128xf32>
    %max3A = arith.constant 0.000000e+00 : f32
    %max3A_25 = vector.broadcast %max3A : f32 to vector<8192x128xf32>
    %max3A_26 = arith.maximumf %add3A_24, %max3A_25 : vector<8192x128xf32>
    %get3A_27 = arith.constant 0 : index
    %get3A_28 = arith.constant 0 : index
    %get3A_29 = vector.load %arg6[%get3A_27, %get3A_28] : memref<128x64xf32, #tpu.memory_space<vmem>>, vector<128x64xf32>
    %dot_general3A_30 = arith.constant dense<0.000000e+00> : vector<8192x64xf32>
    %dot_general3A_31 = tpu.matmul %max3A_26, %get3A_29, %dot_general3A_30 {dimension_numbers = #tpu.dot_dimension_numbers<[1], [0], [0], [1], [0, 0, 1, 1], [], []>, transpose_lhs_hint = false} : vector<8192x128xf32>, vector<128x64xf32>, vector<8192x64xf32> -> vector<8192x64xf32>
    %get3A_32 = arith.constant 0 : index
    %get3A_33 = arith.constant 0 : index
    %get3A_34 = vector.load %arg7[%get3A_32, %get3A_33] : memref<1x64xf32, #tpu.memory_space<vmem>>, vector<1x64xf32>
    %add3A_35 = vector.broadcast %get3A_34 : vector<1x64xf32> to vector<8192x64xf32>
    %add3A_36 = arith.addf %dot_general3A_31, %add3A_35 : vector<8192x64xf32>
    %max3A_37 = arith.constant 0.000000e+00 : f32
    %max3A_38 = vector.broadcast %max3A_37 : f32 to vector<8192x64xf32>
    %max3A_39 = arith.maximumf %add3A_36, %max3A_38 : vector<8192x64xf32>
    %get3A_40 = arith.constant 0 : index
    %get3A_41 = arith.constant 0 : index
    %get3A_42 = vector.load %arg8[%get3A_40, %get3A_41] : memref<64x1xf32, #tpu.memory_space<vmem>>, vector<64x1xf32>
    %dot_general3A_43 = arith.constant dense<0.000000e+00> : vector<1x8192xf32>
    %dot_general3A_44 = tpu.matmul %get3A_42, %max3A_39, %dot_general3A_43 {dimension_numbers = #tpu.dot_dimension_numbers<[0], [1], [1], [0], [0, 1, 1, 0], [], []>, transpose_lhs_hint = false} : vector<64x1xf32>, vector<8192x64xf32>, vector<1x8192xf32> -> vector<1x8192xf32>
    %get3A_45 = arith.constant 0 : index
    %get3A_46 = arith.constant 0 : index
    %get3A_47 = vector.load %arg9[%get3A_45, %get3A_46] : memref<1x1xf32, #tpu.memory_space<vmem>>, vector<1x1xf32>
    %add3A_48 = vector.broadcast %get3A_47 : vector<1x1xf32> to vector<1x8192xf32>
    %add3A_49 = arith.addf %dot_general3A_44, %add3A_48 : vector<1x8192xf32>
    %swap3A = arith.constant 0 : index
    %swap3A_50 = arith.constant 0 : index
    %swap3A_51 = vector.load %arg10[%swap3A, %swap3A_50] : memref<1x8192xf32, #tpu.memory_space<vmem>>, vector<1x8192xf32>
    tpu.vector_store %arg10[%swap3A, %swap3A_50], %add3A_49 {strides = array<i32>} : memref<1x8192xf32, #tpu.memory_space<vmem>>, vector<1x8192xf32>,
    return
  }
  func.func @transform_0(%arg0: i32) -> (i32, i32) {
    %c0_i32 = arith.constant 0 : i32
    %c0_i32_0 = arith.constant 0 : i32
    return %arg0, %c0_i32 : i32, i32
  }
  func.func @transform_1(%arg0: i32) -> (i32, i32) {
    %c0_i32 = arith.constant 0 : i32
    %c0_i32_0 = arith.constant 0 : i32
    return %c0_i32, %arg0 : i32, i32
  }
  func.func @transform_2(%arg0: i32) -> (i32, i32) {
    %c0_i32 = arith.constant 0 : i32
    %c0_i32_0 = arith.constant 0 : i32
    return %c0_i32, %arg0 : i32, i32
  }
  func.func @transform_3(%arg0: i32) -> (i32, i32) {
    %c0_i32 = arith.constant 0 : i32
    %c0_i32_0 = arith.constant 0 : i32
    %c0_i32_1 = arith.constant 0 : i32
    return %c0_i32, %c0_i32_0 : i32, i32
  }
  func.func @transform_4(%arg0: i32) -> (i32, i32) {
    %c0_i32 = arith.constant 0 : i32
    %c0_i32_0 = arith.constant 0 : i32
    %c0_i32_1 = arith.constant 0 : i32
    return %c0_i32, %c0_i32_0 : i32, i32
  }
  func.func @transform_5(%arg0: i32) -> (i32, i32) {
    %c0_i32 = arith.constant 0 : i32
    %c0_i32_0 = arith.constant 0 : i32
    %c0_i32_1 = arith.constant 0 : i32
    return %c0_i32, %c0_i32_0 : i32, i32
  }
  func.func @transform_6(%arg0: i32) -> (i32, i32) {
    %c0_i32 = arith.constant 0 : i32
    %c0_i32_0 = arith.constant 0 : i32
    %c0_i32_1 = arith.constant 0 : i32
    return %c0_i32, %c0_i32_0 : i32, i32
  }
  func.func @transform_7(%arg0: i32) -> (i32, i32) {
    %c0_i32 = arith.constant 0 : i32
    %c0_i32_0 = arith.constant 0 : i32
    %c0_i32_1 = arith.constant 0 : i32
    return %c0_i32, %c0_i32_0 : i32, i32
  }
  func.func @transform_8(%arg0: i32) -> (i32, i32) {
    %c0_i32 = arith.constant 0 : i32
    %c0_i32_0 = arith.constant 0 : i32
    %c0_i32_1 = arith.constant 0 : i32
    return %c0_i32, %c0_i32_0 : i32, i32
  }
  func.func @transform_9(%arg0: i32) -> (i32, i32) {
    %c0_i32 = arith.constant 0 : i32
    %c0_i32_0 = arith.constant 0 : i32
    return %c0_i32, %arg0 : i32, i32
  }
}

</mosaic_0001>

<sc_bundles>
// kernel: kernel.6.cloned.1.call-start
scs
__scs_entry_jumppad:
0x0: {  	(pc) =	sbr.rel $0x88, $3  }
0x1: {  	(tag) =	ssettag $0x0;
	lr =	simm.s32 $0x1  }
0x2: {  	[smem:$0x3F95] =	sst lr;
	_ =	strace $0xD0000000  }
0x3: {  	_ = 	snop  }
0x4: {  	_ = 	snop  }
0x5: {  	_ = 	snop  }
0x6: {  	_ = 	snop  }
0x7: {  	_ = 	snop  }
__scs_overlays_trampoline_lowered:
0x8: {  	[smem:$0x3FA4] =	sst s0  }
0x9: {  	[smem:$0x3FA5] =	sst s1  }
0xa: {  	[smem:$0x3FA6] =	sst s2  }
0xb: {  	[smem:$0x3FA7] =	sst s3  }
0xc: {  	[smem:$0x3FA8] =	sst s4  }
0xd: {  	[smem:$0x3FA9] =	sst s5  }
0xe: {  	[smem:$0x3FAA] =	sst s6  }
0xf: {  	[smem:$0x3FAB] =	sst s7  }
0x10: {  	[smem:$0x3FAC] =	sst s8  }
0x11: {  	[smem:$0x3FAD] =	sst s9;
	s0 =	simm.s32 @!p0 $0x0  }
0x12: {  	s1 =	sld [smem:$0x3F93];
	s0 =	simm.s32 @p0 $0x1  }
0x13: {  	[smem:$0x3FAE] =	sst s0;
	s0 =	simm.s32 @!p1 $0x0  }
0x14: {  	s2 =	sld [smem:$0x3F92];
	s0 =	simm.s32 @p1 $0x1  }
0x15: {  	[smem:$0x3FAF] =	sst s0;
	s0 =	simm.s32 @!p2 $0x0  }
0x16: {  	s3 =	sld [smem:$0x3FDB];
	s0 =	simm.s32 @p2 $0x1  }
0x17: {  	s4 =	simm.s32 $0x1BF5;
	[smem:$0x3FB1] =	sst s0  }
0x18: {  	s0 =	sld [smem:$0x3F94];
	_ =	swait.ge [sflag:s4], $0x0  }
0x19: {  	s7 =	sld [smem:$0x3F95]  }
0x1a: {  	s8 =	sadd.s32 $0xFFFFE003, lr  }
0x1b: {  	s9 =	sadd.s32 $0xFFFFFEF7, lr;
	s5 =	simm.s32 $0xFFFFFFFF;
	p2 =	slt.u32 s8, $0xFFFFF086  }
0x1c: {  	p1 =	slt.u32 s9, $0xF7A;
	s5 =	simm.s32 @!p2 $0x0  }
0x1d: {  	s5 =	simm.s32 @p1 $0x1;
	p0 =	seq.s32 s7, s2  }
0x1e: {  	s7 =	smul.u32 @!p0 $0xF7A, s2;
	p2 =	seq.s32 @!p0 s5, $0x0  }
0x1f: {  	s9 =	smul.u32 $0xF7A, s1;
	s8 =	simm.s32 @!p0 $0x1BF5;
	p2 =	por !p2, p0  }
0x20: {  	[sflag:s8] =	ssyncset.s32 @!p0 $0xFFFFF086;
	s6 =	sadd.s32 @!p0 s3, s7;
	s7 =	simm.s32 @!p0 $0x108  }
0x21: {  	s3 =	sadd.s32 s3, s9;
	s6 =	sadd.s32 @!p0 $0x88, s6;
	s7 =	simm.s32 @p2 $0x1082  }
0x22: {  	[simem:s7], [sflag:s8] =	dma.local @!p0 [hbm:s6], $0xF7A  }
0x23: {  	s9 =	sor.u32 $0xD0000000, s2;
	s6 =	simm.s32 $0x108;
	_ =	swait.ge @!p0 [sflag:s8], $0x0  }
0x24: {  	s3 =	sadd.s32 $0x88, s3;
	s6 =	simm.s32 @!p1 $0x1082;
	[sflag:s4] =	ssyncset.s32 $0xFFFFF086  }
0x25: {  	[simem:s6], [sflag:s4] =	dma.local [hbm:s3], $0xF7A  }
0x26: {  	[smem:$0x3F95] =	sst s1;
	(tag) =	ssettag s2;
	_ =	strace s9  }
0x27: {  	s1 =	sld [smem:$0x3FA5]  }
0x28: {  	s2 =	sld [smem:$0x3FA6]  }
0x29: {  	s4 =	sld [smem:$0x3FA8]  }
0x2a: {  	p0 =	seq.s32 s5, $0x0;
	s5 =	sld [smem:$0x3FA9]  }
0x2b: {  	s6 =	sld [smem:$0x3FAA]  }
0x2c: {  	s7 =	sld [smem:$0x3FAB]  }
0x2d: {  	s3 =	simm.s32 $0x108;
	s8 =	sld [smem:$0x3FAC]  }
0x2e: {  	s3 =	simm.s32 @!p0 $0x1082;
	s9 =	sld [smem:$0x3FAD]  }
0x2f: {  	lr =	sadd.s32 s0, s3;
	s0 =	sld [smem:$0x3FA4]  }
0x30: {  	s3 =	sld [smem:$0x3FA7]  }
0x31: {  	[smem:$0x3FB0] =	sst s10  }
0x32: {  	s10 =	sld [smem:$0x3FAE];
	_ =	sdelay $0x3  }
0x33: {  	p0 =	seq.s32 s10, $0x1;
	s10 =	sld [smem:$0x3FB0];
	_ =	sdelay $0x3  }
0x34: {  	[smem:$0x3FB0] =	sst s10  }
0x35: {  	s10 =	sld [smem:$0x3FAF];
	_ =	sdelay $0x3  }
0x36: {  	p1 =	seq.s32 s10, $0x1;
	s10 =	sld [smem:$0x3FB0];
	_ =	sdelay $0x3  }
0x37: {  	[smem:$0x3FB0] =	sst s10  }
0x38: {  	s10 =	sld [smem:$0x3FB1]  }
0x39: {  	_ = 	snop;
	(pc) =	sbr.ind lr, $3  }
0x3a: {  	_ = 	snop  }
0x3b: {  	_ = 	snop  }
0x3c: {  	p2 =	seq.s32 s10, $0x1;
	s10 =	sld [smem:$0x3FB0]  }
0x3d: {  	_ =	shalt  }
0x3e: {  	_ =	shalt  }
0x3f: {  	_ =	shalt  }
0x40: {  	_ =	shalt  }
0x41: {  	_ =	shalt  }
0x42: {  	_ =	shalt  }
0x43: {  	_ =	shalt  }
0x44: {  	_ =	shalt  }
0x45: {  	_ =	shalt  }
0x46: {  	_ =	shalt  }
0x47: {  	_ =	shalt  }
0x48: {  	_ =	shalt  }
0x49: {  	_ =	shalt  }
0x4a: {  	_ =	shalt  }
0x4b: {  	_ =	shalt  }
0x4c: {  	_ =	shalt  }
0x4d: {  	_ =	shalt  }
0x4e: {  	_ =	shalt  }
0x4f: {  	_ =	shalt  }
0x50: {  	_ =	shalt  }
0x51: {  	_ =	shalt  }
0x52: {  	_ =	shalt  }
0x53: {  	_ =	shalt  }
0x54: {  	_ =	shalt  }
0x55: {  	_ =	shalt  }
0x56: {  	_ =	shalt  }
0x57: {  	_ =	shalt  }
0x58: {  	_ =	shalt  }
0x59: {  	_ =	shalt  }
0x5a: {  	_ =	shalt  }
0x5b: {  	_ =	shalt  }
0x5c: {  	_ =	shalt  }
0x5d: {  	_ =	shalt  }
0x5e: {  	_ =	shalt  }
0x5f: {  	_ =	shalt  }
0x60: {  	_ =	shalt  }
0x61: {  	_ =	shalt  }
0x62: {  	_ =	shalt  }
0x63: {  	_ =	shalt  }
0x64: {  	_ =	shalt  }
0x65: {  	_ =	shalt  }
0x66: {  	_ =	shalt  }
0x67: {  	_ =	shalt  }
0x68: {  	_ =	shalt  }
0x69: {  	_ =	shalt  }
0x6a: {  	_ =	shalt  }
0x6b: {  	_ =	shalt  }
0x6c: {  	_ =	shalt  }
0x6d: {  	_ =	shalt  }
0x6e: {  	_ =	shalt  }
0x6f: {  	_ =	shalt  }
0x70: {  	_ =	shalt  }
0x71: {  	_ =	shalt  }
0x72: {  	_ =	shalt  }
0x73: {  	_ =	shalt  }
0x74: {  	_ =	shalt  }
0x75: {  	_ =	shalt  }
0x76: {  	_ =	shalt  }
0x77: {  	_ =	shalt  }
0x78: {  	_ =	shalt  }
0x79: {  	_ =	shalt  }
0x7a: {  	_ =	shalt  }
0x7b: {  	_ =	shalt  }
0x7c: {  	_ =	shalt  }
0x7d: {  	_ =	shalt  }
0x7e: {  	_ =	shalt  }
0x7f: {  	_ =	shalt  }
0x80: {  	_ =	shalt  }
0x81: {  	_ =	shalt  }
0x82: {  	_ =	shalt  }
0x83: {  	_ =	shalt  }
0x84: {  	_ =	shalt  }
0x85: {  	_ =	shalt  }
0x86: {  	_ =	shalt  }
0x87: {  	_ =	shalt  }
.Lfunc_end0:
.L_simem_size_0:
called_computation_lowered:
.L_overlay_start_0:
0x88: {  	s2 =	sld [smem:$0x3FD9]  }
0x89: {  	s3 =	sld [smem:$0x3FFE];
	_ =	sdelay $0x1  }
0x8a: {  	s1 =	srdreg.scid  }
0x8b: {  	s0 =	sand.u32 $0x1, s1  }
0x8c: {  	s16 =	sshll.u32 s0, $0xA;
	s2 =	sadd.s32 s3, s2  }
0x8d: {  	s2 =	sadd.s32 s2, s16  }
0x8e: {  	[smem:$0x3FBC] =	sst s2  }
0x8f: {  	_ = 	snop  }
0x90: {  	(tm) =	ssettm $0x1  }
0x91: {  	s17 =	sld [smem:$0x3FFB];
	_ =	sdelay $0x3  }
0x92: {  	_ =	strace s17  }
0x93: {  	s2 =	sld [smem:$0x3FFC];
	_ =	sdelay $0x3  }
0x94: {  	_ =	strace s2  }
0x95: {  	s2 =	sld [smem:$0x3FFD];
	_ =	sdelay $0x3  }
0x96: {  	_ =	strace s2  }
0x97: {  	_ =	strace $0x8FFFFFFF  }
0x98: {  	s18 =	sld [smem:$0x3FDB];
	_ =	sdelay $0x1  }
0x99: {  	s19 =	simm.s32 $_scs_section_size  }
0x9a: {  	s4 =	simm.s32 $_size__tile_overlayer_lowered;
	s5 =	simm.s32 $_tile_overlayer_lowered  }
0x9b: {  	s22 =	simm.s32 $0x1BFF;
	s21 =	sshll.u32 s5, $0x1;
	s2 =	sadd.s32 s19, s18  }
0x9c: {  	s6 =	simm.s32 $0x0;
	s20 =	sshll.u32 s4, $0x1;
	s4 =	sadd.s32 s21, s2  }
0x9d: {  	[timem:s6], [sflag:s22] =	dma.local [hbm:s4], s20  }
0x9e: {  	_ =	swait.ge [sflag:s22], s20  }
0x9f: {  	s3 =	ssub.s32 $0x0, s20;
	[sflag:s22] =	ssyncset.done $0x0  }
0xa0: {  	[sflag:s22] =	ssyncadd.s32 s3;
	_ =	sdelay $0x1  }
0xa1: {  	s23 =	simm.s32 $0x1B8B  }
0xa2: {  	_ =	swait.ge [sflag:s23], $0x1  }
0xa3: {  	[sflag:s23] =	ssyncset.done $0x0  }
0xa4: {  	s25 =	simm.s32 $0x1B8E;
	s24 =	sld [smem:$0x3FFE];
	[sflag:s23] =	ssyncadd.s32 $0xFFFFFFFF  }
0xa5: {  	s26 =	simm.s32 $execute0_lowered;
	[smem:$0x3FD2] =	sst s25  }
0xa6: {  	s4 =	sshll.u32 s26, $0x1;
	_ =	strace $0x80000046;
	[dreg:$0x1] =	wrdreg $0xFFFFFFFF  }
0xa7: {  	s28 =	simm.s32 $_size_execute0_lowered;
	s2 =	sadd.s32 s2, s4;
	[dreg:$0x0] =	wrdreg $0x0  }
0xa8: {  	s4 =	sshll.u32 s28, $0x1;
	[dreg:$0x2] =	wrdreg s2  }
0xa9: {  	[dreg:$0x3] =	wrdreg s4  }
0xaa: {  	[dreg:$0x4] =	wrdreg $0xC0  }
0xab: {  	_ =	task [dreg:s6], $0x5FFFF  }
0xac: {  	[dreg:$0x1] =	wrdreg $0xFFFFFFFF  }
0xad: {  	[dreg:$0x0] =	wrdreg $0x60  }
0xae: {  	[dreg:$0x2] =	wrdreg s24  }
0xaf: {  	[dreg:$0x3] =	wrdreg $0x9  }
0xb0: {  	_ =	task.clear_ibuf [dreg:s6], $0x4FFFF;
	_ =	strace $0x90000046  }
0xb1: {  	s29 =	simm.s32 $0x9;
	_ =	strace $0x80000048  }
0xb2: {  	_ =	swait.ge [sflag:s29], $0x1  }
0xb3: {  	[sflag:s29] =	ssyncadd.s32 $0xFFFFFFFF  }
0xb4: {  	_ =	strace $0x90000048  }
0xb5: {  	_ =	sfence  }
0xb6: {  	s30 =	sld [smem:$0x0];
	_ =	sdelay $0x2  }
0xb7: {  	s31 =	sshll.u32 s1, $0xD;
	s1 =	sshrl.u32 s1, $0x2  }
0xb8: {  	s3 =	sand.u32 $0x4000, s31;
	s1 =	sadd.s32 s1, s30  }
0xb9: {  	s0 =	sor.u32 s3, s0;
	s1 =	sshll.u32 s1, $0x11  }
0xba: {  	s0 =	sor.u32 s1, s0  }
0xbb: {  	s0 =	sadd.s32 $0x8F2B, s0  }
0xbc: {  	[sflag:s0] =	ssyncadd.remote.s32 $0x1  }
0xbd: {  	_ =	sfence.sel $0xFFFF  }
0xbe: {  	[dreg:$0x0] =	wrdreg $0xFFFFFFFF;
	(pc) =	sbr.abs _section_cstart, $3  }
0xbf: {  	[dreg:$0x1] =	wrdreg $0xFFFFFFFF  }
0xc0: {  	_ =	task.clear_ibuf [dreg:s6], $0x2FFFF;
	_ =	strace $0x9FFFFFFF  }
0xc1: {  	(tm) =	ssettm $0x7FFFFFFF  }
tec
execute0_lowered:
.L_overlay_start_1:
0x0: {  	(tag) =	ssettag $0x1  }
0x1: {  	s0 =	rddreg [dreg:$0x0];
	s2 =	simm.s32 $0x0  }
0x2: {  	s1 =	srdreg.scid;
	s3 =	stileid.u32;
	s17 =	simm.s32 $0x300  }
0x3: {  	s18 =	simm.s32 $0x5;
	s19 =	simm.s32 $0x80;
	s21 =	simm.s32 $0x180  }
0x4: {  	s28 =	simm.s32 $0x4400;
	s29 =	simm.s32 $0x8400;
	s31 =	simm.s32 $0x10400  }
0x5: {  	s30 =	simm.s32 $0x4;
	[smem:$0x7FF] =	sst s2;
	s1 =	sand.u32 $0x1, s1  }
0x6: {  	s5 =	sshll.u32 s3, $0xA;
	s3 =	sadd.s32 $0x6400, s0;
	s6 =	sshll.u32 s1, $0x9  }
0x7: {  	s4 =	sadd.s32 $0x4000, s0;
	s1 =	ssub.s32 $0x2, s1;
	s5 =	sor.u32 s6, s5  }
0x8: {  	_ =	strace $0x80000047;
	s23 =	sshrl.u32 s1, $0x1;
	s6 =	sshrl.u32 s5, $0x3  }
0x9: {  	s5 =	sshll.u32 s5, $0x4;
	s1 =	ssub.s32 s1, s23;
	s23 =	simm.s32 $0x280  }
0xa: {  	s7 =	sadd.s32 s6, s0;
	s0 =	sadd.s32 s5, s0;
	s11 =	smax.u32 s1, $0x1  }
0xb: {  	s1 =	simm.s32 $0x1;
	s5 =	simm.s32 $0x3;
	s24 =	sadd.s32 $0x3000, s7  }
0xc: {  	s6 =	sadd.s32 $0x3800, s7;
	s25 =	sadd.s32 $0x14600, s0;
	s26 =	sadd.s32 $0x14E00, s0  }
0xd: {  	s9 =	sadd.s32 $0x15600, s0;
	s10 =	sadd.s32 $0x15E00, s0;
	s12 =	sadd.s32 $0x3010, s7  }
0xe: {  	s13 =	sadd.s32 $0x3020, s7;
	s14 =	sadd.s32 $0x3030, s7;
	[dreg:$0x2] =	wrdreg s24  }
0xf: {  	s0 =	simm.s32 $0x2;
	s7 =	simm.s32 $0x0;
	[dreg:$0x3] =	wrdreg s25  }
0x10: {  	[dreg:$0x4] =	wrdreg s26;
	s20 =	sadd.s32 $0x10, s6;
	s22 =	sadd.s32 $0x20, s6  }
0x11: {  	s24 =	sadd.s32 $0x30, s6;
	s25 =	simm.s32 $0x380;
	s26 =	simm.s32 $0x400  }
.LBB2_1:
0x12: {  	s8 =	rddreg [dreg:$0x2]  }
0x13: {  	[tilespmem:s2], [sflag:$0x5] =	stream.linear.gather [hbm4b:s8+s2], $0x80, $0x38;
	[tilespmem:$0x18400] =	vst v63  }
0x14: {  	s16 =	simm.s32 $0x100  }
0x15: {  	[tilespmem:s16], [sflag:$0x5] =	stream.linear.gather [hbm4b:s12+s2], $0x80, $0x38;
	[tilespmem:$0x18400] =	vst v63  }
0x16: {  	s15 =	simm.s32 $0x200  }
0x17: {  	[tilespmem:s15], [sflag:$0x5] =	stream.linear.gather [hbm4b:s13+s2], $0x80, $0x38;
	[tilespmem:$0x18400] =	vst v63  }
0x18: {  	_ = 	snop  }
0x19: {  	[tilespmem:s17], [sflag:$0x5] =	stream.linear.gather [hbm4b:s14+s2], $0x80, $0x38;
	[tilespmem:$0x18400] =	vst v63  }
0x1a: {  	_ =	swait.ge [sflag:s18], $0x200  }
0x1b: {  	[sflag:s18] =	ssyncset.done $0x0  }
0x1c: {  	[sflag:s18] =	ssyncadd.s32 $0xFFFFFE00  }
0x1d: {  	[tilespmem:s19], [sflag:$0x5] =	stream.linear.gather [hbm4b:s6+s2], $0x80, $0x38;
	[tilespmem:$0x18400] =	vst v63  }
0x1e: {  	_ = 	snop  }
0x1f: {  	[tilespmem:s21], [sflag:$0x5] =	stream.linear.gather [hbm4b:s20+s2], $0x80, $0x38;
	[tilespmem:$0x18400] =	vst v63  }
0x20: {  	_ = 	snop  }
0x21: {  	[tilespmem:s23], [sflag:$0x5] =	stream.linear.gather [hbm4b:s22+s2], $0x80, $0x38;
	[tilespmem:$0x18400] =	vst v63  }
0x22: {  	_ = 	snop  }
0x23: {  	[tilespmem:s25], [sflag:$0x5] =	stream.linear.gather [hbm4b:s24+s2], $0x80, $0x38;
	[tilespmem:$0x18400] =	vst v63  }
0x24: {  	_ =	swait.ge [sflag:s18], $0x200  }
0x25: {  	[sflag:s18] =	ssyncset.done $0x0  }
0x26: {  	[sflag:s18] =	ssyncadd.s32 $0xFFFFFE00  }
0x27: {  	[tilespmem:s26], [sflag:$0x1] =	stream.indirect.gather [hbm4b:s3+s19], $0x80, s2, s19, $0xb8;
	[tilespmem:$0x18400] =	vst v63  }
0x28: {  	_ = 	snop  }
0x29: {  	[tilespmem:s28], [sflag:$0x1] =	stream.indirect.gather [hbm4b:s4+s19], $0x80, s19, s19, $0xb8;
	[tilespmem:$0x18400] =	vst v63  }
0x2a: {  	_ = 	snop  }
0x2b: {  	[tilespmem:s29], [sflag:$0x2] =	stream.indirect.gather [hbm4b:s3+s19], $0x80, s16, s19, $0xb8;
	[tilespmem:$0x18400] =	vst v63  }
0x2c: {  	s16 =	simm.s32 $0xC400  }
0x2d: {  	[tilespmem:s16], [sflag:$0x2] =	stream.indirect.gather [hbm4b:s4+s19], $0x80, s21, s19, $0xb8;
	[tilespmem:$0x18400] =	vst v63  }
0x2e: {  	_ = 	snop  }
0x2f: {  	[tilespmem:s31], [sflag:$0x3] =	stream.indirect.gather [hbm4b:s3+s19], $0x80, s15, s19, $0xb8;
	[tilespmem:$0x18400] =	vst v63  }
0x30: {  	s16 =	simm.s32 $0x14400  }
0x31: {  	[tilespmem:s16], [sflag:$0x3] =	stream.indirect.gather [hbm4b:s4+s19], $0x80, s23, s19, $0xb8;
	[tilespmem:$0x18400] =	vst v63  }
0x32: {  	_ =	swait.ge [sflag:s1], $0x4000  }
0x33: {  	[sflag:s1] =	ssyncset.done $0x0  }
0x34: {  	[sflag:s1] =	ssyncadd.s32 $0xFFFFC000  }
0x35: {  	_ =	swait.ge [sflag:s1], $0x4000  }
0x36: {  	[sflag:s1] =	ssyncset.done $0x0  }
0x37: {  	s15 =	simm.s32 $0x0;
	[sflag:s1] =	ssyncadd.s32 $0xFFFFC000  }
0x38: {  	v7 =	vld [tilespmem:s15+$0x4400]  }
0x39: {  	v11 =	vld [tilespmem:s15+$0x4410]  }
0x3a: {  	v5 =	vld [tilespmem:s15+$0x4420]  }
0x3b: {  	v4 =	vld [tilespmem:s15+$0x4430]  }
0x3c: {  	v3 =	vld [tilespmem:s15+$0x4440]  }
0x3d: {  	v2 =	vld [tilespmem:s15+$0x4450]  }
0x3e: {  	v1 =	vld [tilespmem:s15+$0x4460]  }
0x3f: {  	v0 =	vld [tilespmem:s15+$0x4470]  }
0x40: {  	v12 =	vld [tilespmem:s15+$0x400]  }
0x41: {  	v13 =	vld [tilespmem:s15+$0x410]  }
0x42: {  	v10 =	vld [tilespmem:s15+$0x420]  }
0x43: {  	v9 =	vld [tilespmem:s15+$0x430]  }
0x44: {  	v8 =	vld [tilespmem:s15+$0x440]  }
0x45: {  	v6 =	vld [tilespmem:s15+$0x450];
	v12 =	vadd.f32 v7, v12  }
0x46: {  	s8 =	simm.s32 $0x200;
	v11 =	vadd.f32 v11, v13;
	v7 =	vld [tilespmem:s15+$0x460]  }
.LBB2_2:
0x47: {  	s16 =	sshra.s32 s8, $0x2;
	p0 =	sne.s32 s8, $0xFE00;
	[tilespmem:s15+$0x400] =	vst v12;
	v5 =	vadd.f32 v5, v10;
	v10 =	vld [tilespmem:s15+$0x470]  }
0x48: {  	v12 =	vld [tilespmem:s16+$0x4400];
	[tilespmem:s15+$0x410] =	vst v11;
	v4 =	vadd.f32 v4, v9  }
0x49: {  	v11 =	vld [tilespmem:s16+$0x4410];
	[tilespmem:s15+$0x420] =	vst v5;
	v3 =	vadd.f32 v3, v8  }
0x4a: {  	v5 =	vld [tilespmem:s16+$0x4420];
	[tilespmem:s15+$0x430] =	vst v4;
	v2 =	vadd.f32 v2, v6  }
0x4b: {  	v4 =	vld [tilespmem:s16+$0x4430];
	[tilespmem:s15+$0x440] =	vst v3;
	v1 =	vadd.f32 v1, v7  }
0x4c: {  	v3 =	vld [tilespmem:s16+$0x4440];
	[tilespmem:s15+$0x450] =	vst v2;
	v0 =	vadd.f32 v0, v10  }
0x4d: {  	v2 =	vld [tilespmem:s16+$0x4450];
	[tilespmem:s15+$0x460] =	vst v1  }
0x4e: {  	v1 =	vld [tilespmem:s16+$0x4460];
	[tilespmem:s15+$0x470] =	vst v0;
	s15 =	smov.u32 s16  }
0x4f: {  	v0 =	vld [tilespmem:s15+$0x4470]  }
0x50: {  	v6 =	vld [tilespmem:s15+$0x400]  }
0x51: {  	v7 =	vld [tilespmem:s15+$0x410]  }
.Ltmp0:
0x52: {  	v10 =	vld [tilespmem:s15+$0x420];
	(pc) =	sbr.rel @p0 .LBB2_2-.Ltmp0, $4  }
0x53: {  	v9 =	vld [tilespmem:s15+$0x430]  }
0x54: {  	v8 =	vld [tilespmem:s15+$0x440]  }
0x55: {  	v12 =	vadd.f32 v12, v6;
	v6 =	vld [tilespmem:s15+$0x450]  }
0x56: {  	s8 =	sadd.s32 $0x200, s8;
	v11 =	vadd.f32 v11, v7;
	v7 =	vld [tilespmem:s15+$0x460]  }
0x57: {  	[tilespmem:s15+$0x400] =	vst v12;
	v5 =	vadd.f32 v5, v10;
	v10 =	vld [tilespmem:s15+$0x470]  }
0x58: {  	[tilespmem:s15+$0x410] =	vst v11;
	v4 =	vadd.f32 v4, v9  }
0x59: {  	[tilespmem:s15+$0x420] =	vst v5;
	v3 =	vadd.f32 v3, v8  }
0x5a: {  	[tilespmem:s15+$0x430] =	vst v4;
	v2 =	vadd.f32 v2, v6  }
0x5b: {  	[tilespmem:s15+$0x440] =	vst v3;
	v1 =	vadd.f32 v1, v7  }
0x5c: {  	[tilespmem:s15+$0x450] =	vst v2;
	v0 =	vadd.f32 v0, v10  }
0x5d: {  	[tilespmem:s15+$0x460] =	vst v1  }
0x5e: {  	s8 =	simm.s32 $0x0;
	s16 =	rddreg [dreg:$0x3];
	[tilespmem:s15+$0x470] =	vst v0  }
0x5f: {  	[hbm4b:s16+s8] =	stream.linear.scatter [tilespmem:s26], [sflag:$0x4], $0x4000, $0x38;
	[tilespmem:$0x18400] =	vst v63  }
0x60: {  	_ =	swait.ge [sflag:s30], $0x4000  }
0x61: {  	[sflag:s30] =	ssyncset.done $0x0  }
0x62: {  	[sflag:s30] =	ssyncadd.s32 $0xFFFFC000  }
0x63: {  	[tilespmem:s26], [sflag:$0x1] =	stream.indirect.gather [hbm4b:s3+s19], $0x80, s17, s19, $0xb8;
	[tilespmem:$0x18400] =	vst v63  }
0x64: {  	_ = 	snop  }
0x65: {  	[tilespmem:s28], [sflag:$0x1] =	stream.indirect.gather [hbm4b:s4+s19], $0x80, s25, s19, $0xb8;
	[tilespmem:$0x18400] =	vst v63  }
0x66: {  	_ =	swait.ge [sflag:s0], $0x4000  }
0x67: {  	[sflag:s0] =	ssyncset.done $0x0  }
0x68: {  	[sflag:s0] =	ssyncadd.s32 $0xFFFFC000  }
0x69: {  	_ =	swait.ge [sflag:s0], $0x4000  }
0x6a: {  	[sflag:s0] =	ssyncset.done $0x0  }
0x6b: {  	s15 =	simm.s32 $0x0;
	[sflag:s0] =	ssyncadd.s32 $0xFFFFC000  }
0x6c: {  	v7 =	vld [tilespmem:s15+$0xC400]  }
0x6d: {  	v11 =	vld [tilespmem:s15+$0xC410]  }
0x6e: {  	v5 =	vld [tilespmem:s15+$0xC420]  }
0x6f: {  	v4 =	vld [tilespmem:s15+$0xC430]  }
0x70: {  	v3 =	vld [tilespmem:s15+$0xC440]  }
0x71: {  	v2 =	vld [tilespmem:s15+$0xC450]  }
0x72: {  	v1 =	vld [tilespmem:s15+$0xC460]  }
0x73: {  	v0 =	vld [tilespmem:s15+$0xC470]  }
0x74: {  	v12 =	vld [tilespmem:s15+$0x8400]  }
0x75: {  	v13 =	vld [tilespmem:s15+$0x8410]  }
0x76: {  	v10 =	vld [tilespmem:s15+$0x8420]  }
0x77: {  	v9 =	vld [tilespmem:s15+$0x8430]  }
0x78: {  	v8 =	vld [tilespmem:s15+$0x8440]  }
0x79: {  	v6 =	vld [tilespmem:s15+$0x8450];
	v12 =	vadd.f32 v7, v12  }
0x7a: {  	s8 =	simm.s32 $0x200;
	v11 =	vadd.f32 v11, v13;
	v7 =	vld [tilespmem:s15+$0x8460]  }
.LBB2_4:
0x7b: {  	s16 =	sshra.s32 s8, $0x2;
	p0 =	sne.s32 s8, $0xFE00;
	[tilespmem:s15+$0x8400] =	vst v12;
	v5 =	vadd.f32 v5, v10;
	v10 =	vld [tilespmem:s15+$0x8470]  }
0x7c: {  	v12 =	vld [tilespmem:s16+$0xC400];
	[tilespmem:s15+$0x8410] =	vst v11;
	v4 =	vadd.f32 v4, v9  }
0x7d: {  	v11 =	vld [tilespmem:s16+$0xC410];
	[tilespmem:s15+$0x8420] =	vst v5;
	v3 =	vadd.f32 v3, v8  }
0x7e: {  	v5 =	vld [tilespmem:s16+$0xC420];
	[tilespmem:s15+$0x8430] =	vst v4;
	v2 =	vadd.f32 v2, v6  }
0x7f: {  	v4 =	vld [tilespmem:s16+$0xC430];
	[tilespmem:s15+$0x8440] =	vst v3;
	v1 =	vadd.f32 v1, v7  }
0x80: {  	v3 =	vld [tilespmem:s16+$0xC440];
	[tilespmem:s15+$0x8450] =	vst v2;
	v0 =	vadd.f32 v0, v10  }
0x81: {  	v2 =	vld [tilespmem:s16+$0xC450];
	[tilespmem:s15+$0x8460] =	vst v1  }
0x82: {  	v1 =	vld [tilespmem:s16+$0xC460];
	[tilespmem:s15+$0x8470] =	vst v0;
	s15 =	smov.u32 s16  }
0x83: {  	v0 =	vld [tilespmem:s15+$0xC470]  }
0x84: {  	v6 =	vld [tilespmem:s15+$0x8400]  }
0x85: {  	v7 =	vld [tilespmem:s15+$0x8410]  }
.Ltmp1:
0x86: {  	v10 =	vld [tilespmem:s15+$0x8420];
	(pc) =	sbr.rel @p0 .LBB2_4-.Ltmp1, $4  }
0x87: {  	v9 =	vld [tilespmem:s15+$0x8430]  }
0x88: {  	v8 =	vld [tilespmem:s15+$0x8440]  }
0x89: {  	v12 =	vadd.f32 v12, v6;
	v6 =	vld [tilespmem:s15+$0x8450]  }
0x8a: {  	s8 =	sadd.s32 $0x200, s8;
	v11 =	vadd.f32 v11, v7;
	v7 =	vld [tilespmem:s15+$0x8460]  }
0x8b: {  	[tilespmem:s15+$0x8400] =	vst v12;
	v5 =	vadd.f32 v5, v10;
	v10 =	vld [tilespmem:s15+$0x8470]  }
0x8c: {  	[tilespmem:s15+$0x8410] =	vst v11;
	v4 =	vadd.f32 v4, v9  }
0x8d: {  	[tilespmem:s15+$0x8420] =	vst v5;
	v3 =	vadd.f32 v3, v8  }
0x8e: {  	[tilespmem:s15+$0x8430] =	vst v4;
	v2 =	vadd.f32 v2, v6  }
0x8f: {  	[tilespmem:s15+$0x8440] =	vst v3;
	v1 =	vadd.f32 v1, v7  }
0x90: {  	[tilespmem:s15+$0x8450] =	vst v2;
	v0 =	vadd.f32 v0, v10  }
0x91: {  	[tilespmem:s15+$0x8460] =	vst v1  }
0x92: {  	s8 =	simm.s32 $0x0;
	s16 =	rddreg [dreg:$0x4];
	[tilespmem:s15+$0x8470] =	vst v0  }
0x93: {  	[hbm4b:s16+s8] =	stream.linear.scatter [tilespmem:s29], [sflag:$0x4], $0x4000, $0x38;
	[tilespmem:$0x18400] =	vst v63  }
0x94: {  	_ =	swait.ge [sflag:s5], $0x4000  }
0x95: {  	[sflag:s5] =	ssyncset.done $0x0  }
0x96: {  	[sflag:s5] =	ssyncadd.s32 $0xFFFFC000  }
0x97: {  	_ =	swait.ge [sflag:s5], $0x4000  }
0x98: {  	[sflag:s5] =	ssyncset.done $0x0  }
0x99: {  	s15 =	simm.s32 $0x0;
	[sflag:s5] =	ssyncadd.s32 $0xFFFFC000  }
0x9a: {  	v7 =	vld [tilespmem:s15+$0x14400]  }
0x9b: {  	v11 =	vld [tilespmem:s15+$0x14410]  }
0x9c: {  	v5 =	vld [tilespmem:s15+$0x14420]  }
0x9d: {  	v4 =	vld [tilespmem:s15+$0x14430]  }
0x9e: {  	v3 =	vld [tilespmem:s15+$0x14440]  }
0x9f: {  	v2 =	vld [tilespmem:s15+$0x14450]  }
0xa0: {  	v1 =	vld [tilespmem:s15+$0x14460]  }
0xa1: {  	v0 =	vld [tilespmem:s15+$0x14470]  }
0xa2: {  	v12 =	vld [tilespmem:s15+$0x10400]  }
0xa3: {  	v13 =	vld [tilespmem:s15+$0x10410]  }
0xa4: {  	v10 =	vld [tilespmem:s15+$0x10420]  }
0xa5: {  	v9 =	vld [tilespmem:s15+$0x10430]  }
0xa6: {  	v8 =	vld [tilespmem:s15+$0x10440]  }
0xa7: {  	v6 =	vld [tilespmem:s15+$0x10450];
	v12 =	vadd.f32 v7, v12  }
0xa8: {  	s8 =	simm.s32 $0x200;
	v11 =	vadd.f32 v11, v13;
	v7 =	vld [tilespmem:s15+$0x10460]  }
.LBB2_6:
0xa9: {  	s16 =	sshra.s32 s8, $0x2;
	p0 =	sne.s32 s8, $0xFE00;
	[tilespmem:s15+$0x10400] =	vst v12;
	v5 =	vadd.f32 v5, v10;
	v10 =	vld [tilespmem:s15+$0x10470]  }
0xaa: {  	v12 =	vld [tilespmem:s16+$0x14400];
	[tilespmem:s15+$0x10410] =	vst v11;
	v4 =	vadd.f32 v4, v9  }
0xab: {  	v11 =	vld [tilespmem:s16+$0x14410];
	[tilespmem:s15+$0x10420] =	vst v5;
	v3 =	vadd.f32 v3, v8  }
0xac: {  	v5 =	vld [tilespmem:s16+$0x14420];
	[tilespmem:s15+$0x10430] =	vst v4;
	v2 =	vadd.f32 v2, v6  }
0xad: {  	v4 =	vld [tilespmem:s16+$0x14430];
	[tilespmem:s15+$0x10440] =	vst v3;
	v1 =	vadd.f32 v1, v7  }
0xae: {  	v3 =	vld [tilespmem:s16+$0x14440];
	[tilespmem:s15+$0x10450] =	vst v2;
	v0 =	vadd.f32 v0, v10  }
0xaf: {  	v2 =	vld [tilespmem:s16+$0x14450];
	[tilespmem:s15+$0x10460] =	vst v1  }
0xb0: {  	v1 =	vld [tilespmem:s16+$0x14460];
	[tilespmem:s15+$0x10470] =	vst v0;
	s15 =	smov.u32 s16  }
0xb1: {  	v0 =	vld [tilespmem:s15+$0x14470]  }
0xb2: {  	v6 =	vld [tilespmem:s15+$0x10400]  }
0xb3: {  	v7 =	vld [tilespmem:s15+$0x10410]  }
.Ltmp2:
0xb4: {  	v10 =	vld [tilespmem:s15+$0x10420];
	(pc) =	sbr.rel @p0 .LBB2_6-.Ltmp2, $4  }
0xb5: {  	v9 =	vld [tilespmem:s15+$0x10430]  }
0xb6: {  	v8 =	vld [tilespmem:s15+$0x10440]  }
0xb7: {  	v12 =	vadd.f32 v12, v6;
	v6 =	vld [tilespmem:s15+$0x10450]  }
0xb8: {  	s8 =	sadd.s32 $0x200, s8;
	v11 =	vadd.f32 v11, v7;
	v7 =	vld [tilespmem:s15+$0x10460]  }
0xb9: {  	[tilespmem:s15+$0x10400] =	vst v12;
	v5 =	vadd.f32 v5, v10;
	v10 =	vld [tilespmem:s15+$0x10470]  }
0xba: {  	[tilespmem:s15+$0x10410] =	vst v11;
	v4 =	vadd.f32 v4, v9  }
0xbb: {  	[tilespmem:s15+$0x10420] =	vst v5;
	v3 =	vadd.f32 v3, v8  }
0xbc: {  	[tilespmem:s15+$0x10430] =	vst v4;
	v2 =	vadd.f32 v2, v6  }
0xbd: {  	[tilespmem:s15+$0x10440] =	vst v3;
	v1 =	vadd.f32 v1, v7  }
0xbe: {  	[tilespmem:s15+$0x10450] =	vst v2;
	v0 =	vadd.f32 v0, v10  }
0xbf: {  	[tilespmem:s15+$0x10460] =	vst v1  }
0xc0: {  	s8 =	simm.s32 $0x0;
	[tilespmem:s15+$0x10470] =	vst v0  }
0xc1: {  	[hbm4b:s9+s8] =	stream.linear.scatter [tilespmem:s31], [sflag:$0x4], $0x4000, $0x38;
	[tilespmem:$0x18400] =	vst v63  }
0xc2: {  	_ =	swait.ge [sflag:s1], $0x4000  }
0xc3: {  	[sflag:s1] =	ssyncset.done $0x0  }
0xc4: {  	[sflag:s1] =	ssyncadd.s32 $0xFFFFC000  }
0xc5: {  	_ =	swait.ge [sflag:s1], $0x4000  }
0xc6: {  	[sflag:s1] =	ssyncset.done $0x0  }
0xc7: {  	s15 =	simm.s32 $0x0;
	[sflag:s1] =	ssyncadd.s32 $0xFFFFC000  }
0xc8: {  	v7 =	vld [tilespmem:s15+$0x4400]  }
0xc9: {  	v11 =	vld [tilespmem:s15+$0x4410]  }
0xca: {  	v5 =	vld [tilespmem:s15+$0x4420]  }
0xcb: {  	v4 =	vld [tilespmem:s15+$0x4430]  }
0xcc: {  	v3 =	vld [tilespmem:s15+$0x4440]  }
0xcd: {  	v2 =	vld [tilespmem:s15+$0x4450]  }
0xce: {  	v1 =	vld [tilespmem:s15+$0x4460]  }
0xcf: {  	v0 =	vld [tilespmem:s15+$0x4470]  }
0xd0: {  	v12 =	vld [tilespmem:s15+$0x400]  }
0xd1: {  	v13 =	vld [tilespmem:s15+$0x410]  }
0xd2: {  	v10 =	vld [tilespmem:s15+$0x420]  }
0xd3: {  	v9 =	vld [tilespmem:s15+$0x430]  }
0xd4: {  	v8 =	vld [tilespmem:s15+$0x440]  }
0xd5: {  	v6 =	vld [tilespmem:s15+$0x450];
	v12 =	vadd.f32 v7, v12  }
0xd6: {  	s8 =	simm.s32 $0x200;
	v11 =	vadd.f32 v11, v13;
	v7 =	vld [tilespmem:s15+$0x460]  }
.LBB2_8:
0xd7: {  	s16 =	sshra.s32 s8, $0x2;
	p0 =	sne.s32 s8, $0xFE00;
	[tilespmem:s15+$0x400] =	vst v12;
	v5 =	vadd.f32 v5, v10;
	v10 =	vld [tilespmem:s15+$0x470]  }
0xd8: {  	v12 =	vld [tilespmem:s16+$0x4400];
	[tilespmem:s15+$0x410] =	vst v11;
	v4 =	vadd.f32 v4, v9  }
0xd9: {  	v11 =	vld [tilespmem:s16+$0x4410];
	[tilespmem:s15+$0x420] =	vst v5;
	v3 =	vadd.f32 v3, v8  }
0xda: {  	v5 =	vld [tilespmem:s16+$0x4420];
	[tilespmem:s15+$0x430] =	vst v4;
	v2 =	vadd.f32 v2, v6  }
0xdb: {  	v4 =	vld [tilespmem:s16+$0x4430];
	[tilespmem:s15+$0x440] =	vst v3;
	v1 =	vadd.f32 v1, v7  }
0xdc: {  	v3 =	vld [tilespmem:s16+$0x4440];
	[tilespmem:s15+$0x450] =	vst v2;
	v0 =	vadd.f32 v0, v10  }
0xdd: {  	v2 =	vld [tilespmem:s16+$0x4450];
	[tilespmem:s15+$0x460] =	vst v1  }
0xde: {  	v1 =	vld [tilespmem:s16+$0x4460];
	[tilespmem:s15+$0x470] =	vst v0;
	s15 =	smov.u32 s16  }
0xdf: {  	v0 =	vld [tilespmem:s15+$0x4470]  }
0xe0: {  	v6 =	vld [tilespmem:s15+$0x400]  }
0xe1: {  	v7 =	vld [tilespmem:s15+$0x410]  }
.Ltmp3:
0xe2: {  	v10 =	vld [tilespmem:s15+$0x420];
	(pc) =	sbr.rel @p0 .LBB2_8-.Ltmp3, $4  }
0xe3: {  	v9 =	vld [tilespmem:s15+$0x430]  }
0xe4: {  	v8 =	vld [tilespmem:s15+$0x440]  }
0xe5: {  	v12 =	vadd.f32 v12, v6;
	v6 =	vld [tilespmem:s15+$0x450]  }
0xe6: {  	s8 =	sadd.s32 $0x200, s8;
	v11 =	vadd.f32 v11, v7;
	v7 =	vld [tilespmem:s15+$0x460]  }
0xe7: {  	[tilespmem:s15+$0x400] =	vst v12;
	v5 =	vadd.f32 v5, v10;
	v63 =	vld [tilespmem:s15+$0x470]  }
0xe8: {  	[tilespmem:s15+$0x410] =	vst v11;
	v4 =	vadd.f32 v4, v9  }
0xe9: {  	[tilespmem:s15+$0x420] =	vst v5;
	v3 =	vadd.f32 v3, v8  }
0xea: {  	[tilespmem:s15+$0x430] =	vst v4;
	v2 =	vadd.f32 v2, v6  }
0xeb: {  	[tilespmem:s15+$0x440] =	vst v3;
	v1 =	vadd.f32 v1, v7  }
0xec: {  	[tilespmem:s15+$0x450] =	vst v2;
	v0 =	vadd.f32 v0, v63  }
0xed: {  	[tilespmem:s15+$0x460] =	vst v1  }
0xee: {  	[tilespmem:s15+$0x470] =	vst v0  }
0xef: {  	[hbm4b:s10+s2] =	stream.linear.scatter [tilespmem:s26], [sflag:$0x4], $0x4000, $0x38;
	[tilespmem:$0x18400] =	vst v63  }
0xf0: {  	_ =	swait.ge [sflag:s30], $0x4000  }
0xf1: {  	[sflag:s30] =	ssyncset.done $0x0  }
0xf2: {  	s7 =	sadd.s32 $0x1, s7;
	[sflag:s30] =	ssyncadd.s32 $0xFFFFC000  }
0xf3: {  	p0 =	sne.s32 s7, s11;
	_ =	swait.ge [sflag:s30], $0x4000  }
.Ltmp4:
0xf4: {  	[sflag:s30] =	ssyncset.done $0x0;
	(pc) =	sbr.rel @p0 .LBB2_1-.Ltmp4, $4  }
0xf5: {  	[sflag:s30] =	ssyncadd.s32 $0xFFFFC000  }
0xf6: {  	_ =	swait.ge [sflag:s30], $0x4000  }
0xf7: {  	[sflag:s30] =	ssyncset.done $0x0  }
0xf8: {  	[sflag:s30] =	ssyncadd.s32 $0xFFFFC000  }
0xf9: {  	_ =	sfence.sel $0x180000  }
0xfa: {  	[bflag:$0x0] =	sbarrier.arrive $0xFFFF  }
0xfb: {  	_ =	strace $0x90000047  }
0xfc: {  	s0 =	stileid.u32;
	[bflag:$0x2] =	sbarrier.arrive $0xFFFF  }
0xfd: {  	p0 =	sne.s32 s0, $0x0;
	s0 =	rddreg [dreg:$0x1]  }
0xfe: {  	s0 =	sadd.s32 @!p0 $0x100000, s0  }
0xff: {  	[sflag:s0] =	ssyncadd.tile.s32 @!p0 $0x1;
	_ =	shalt  }
.Lfunc_end2:
_tile_overlayer_lowered:
.L_overlay_start_2:
0x100: {  	(tag) =	ssettag $0x2  }
0x101: {  	s0 =	rddreg [dreg:$0x0];
	s2 =	stileid.u32  }
0x102: {  	s1 =	rddreg [dreg:$0x1];
	p0 =	sne.s32 s2, $0x0  }
0x103: {  	s3 =	rddreg [dreg:$0x2];
	[bflag:$0x3] =	sbarrier.arrive $0xFFFF;
	s2 =	simm.s32 @!p0 $0x1C05  }
0x104: {  	[timem:s3], [sflag:s2] =	dma.local @!p0 [hbm:s0], s1  }
0x105: {  	s0 =	simm.s32 @!p0 $0x5  }
0x106: {  	_ =	swait.ge @!p0 [sflag:s0], s1  }
0x107: {  	s1 =	ssub.s32 @!p0 $0x0, s1;
	[sflag:s0] =	ssyncset.done @!p0 $0x0  }
0x108: {  	[sflag:s0] =	ssyncadd.s32 @!p0 s1  }
0x109: {  	[bflag:$0x3] =	sbarrier.arrive $0xFFFF  }
0x10a: {  	_ =	shalt  }

</sc_bundles>
